<compile_context>
chip_gen: v7x
topology: tpu7x:2x2x1
jax: 0.10.2.dev20260603
libtpu: 0.0.44.dev20260713+nightly
codegen_flags: <defaults>
</compile_context>

<pallas_src>
import functools

import jax
import jax.numpy as jnp
from jax import lax
from jax.experimental import pallas as pl
from jax.experimental.pallas import tpu as pltpu
from jax.experimental.pallas import tpu_sc as plsc

N = 10000
NPAD = 10240
E = 320000
D = 128
H = 128
A_DIM = 8
MAX_ACT = 1.0

NC = 2
NS = 16
NW = NC * NS
C = 128
NCHUNKS = 84
PASSES = 2
CPP = NCHUNKS // PASSES
EPW = NCHUNKS * C
E_PAD = NW * EPW
ROWS_PER_TILE = NPAD // NS


DW = 128


@functools.partial(
    pl.kernel,
    mesh=plsc.VectorSubcoreMesh(core_axis_name="c", subcore_axis_name="s"),
    out_type=jax.ShapeDtypeStruct((NC, NPAD, DW), jnp.float32),
    scratch_types=[
        pltpu.VMEM((NCHUNKS, C), jnp.int32),
        pltpu.VMEM((C, DW), jnp.float32),
        pltpu.VMEM((C, DW), jnp.float32),
        pltpu.VMEM_SHARED((NPAD, DW), jnp.float32),
    ],
)
def _deg_sc(col_hbm, const_hbm, cnt_hbm, colidx, onesbuf, zbuf, acc):
    cid = lax.axis_index("c")
    sid = lax.axis_index("s")
    wid = sid * NC + cid
    pltpu.sync_copy(col_hbm.at[wid], colidx)
    pltpu.sync_copy(const_hbm.at[pl.ds(0, C)], onesbuf)
    pltpu.sync_copy(const_hbm.at[pl.ds(C, C)], zbuf)
    for k in range(ROWS_PER_TILE // C):
        pltpu.sync_copy(zbuf, acc.at[pl.ds(sid * ROWS_PER_TILE + k * C, C)])
    plsc.subcore_barrier()

    def step(j, _):
        pltpu.sync_copy(onesbuf, acc.at[colidx.at[j]], add=True)
        return 0

    lax.fori_loop(0, NCHUNKS, step, 0)
    plsc.subcore_barrier()
    for k in range(ROWS_PER_TILE // C):
        r = sid * ROWS_PER_TILE + k * C
        pltpu.sync_copy(acc.at[pl.ds(r, C)], zbuf)
        pltpu.sync_copy(zbuf, cnt_hbm.at[cid, pl.ds(r, C)])


def _tc_a_body(x_ref, w_ref, cnt_ref, g_ref, dis_ref):
    cnt = cnt_ref[...]
    deg = cnt[0, :, 0:1] + cnt[1, :, 0:1]
    dis_col = jnp.where(deg > 0.0,
                        lax.rsqrt(jnp.maximum(deg, 1e-12)), 0.0)
    h = jnp.dot(x_ref[...], w_ref[...], preferred_element_type=jnp.float32)
    g_ref[...] = h * dis_col
    dis_ref[...] = dis_col


def _tc_a(xp, w, cnt):
    return pl.pallas_call(
        _tc_a_body,
        out_shape=[
            jax.ShapeDtypeStruct((NPAD, H), jnp.float32),
            jax.ShapeDtypeStruct((NPAD, 1), jnp.float32),
        ],
    )(xp, w, cnt)


@functools.partial(
    pl.kernel,
    mesh=plsc.VectorSubcoreMesh(core_axis_name="c", subcore_axis_name="s"),
    out_type=jax.ShapeDtypeStruct((NC, NPAD, H), jnp.float32),
    scratch_types=[
        pltpu.VMEM((CPP, C), jnp.int32),
        pltpu.VMEM((CPP, C), jnp.int32),
        pltpu.VMEM((C, H), jnp.float32),
        pltpu.VMEM((C, H), jnp.float32),
        pltpu.VMEM_SHARED((NPAD, H), jnp.float32),
        pltpu.SemaphoreType.DMA,
        pltpu.SemaphoreType.DMA,
    ],
)
def _main_sc(g_hbm, row_hbm, col_hbm, z_hbm, p_hbm,
             rowidx, colidx, msg0, msg1, acc, sem0, sem1):
    cid = lax.axis_index("c")
    sid = lax.axis_index("s")
    wid = sid * NC + cid
    pltpu.sync_copy(z_hbm, msg0)
    for k in range(ROWS_PER_TILE // C):
        pltpu.sync_copy(msg0, acc.at[pl.ds(sid * ROWS_PER_TILE + k * C, C)])
    plsc.subcore_barrier()

    def step(jj, _):
        j0 = jj * 2
        j1 = j0 + 1
        pltpu.async_copy(g_hbm.at[rowidx.at[j1]], msg1, sem1)
        pltpu.make_async_copy(g_hbm.at[rowidx.at[j0]], msg0, sem0).wait()
        pltpu.sync_copy(msg0, acc.at[colidx.at[j0]], add=True)

        @pl.when(jj < CPP // 2 - 1)
        def _prefetch():
            pltpu.async_copy(g_hbm.at[rowidx.at[j0 + 2]], msg0, sem0)

        pltpu.make_async_copy(g_hbm.at[rowidx.at[j1]], msg1, sem1).wait()
        pltpu.sync_copy(msg1, acc.at[colidx.at[j1]], add=True)
        return 0

    for p in range(PASSES):
        pltpu.sync_copy(row_hbm.at[wid, p], rowidx)
        pltpu.sync_copy(col_hbm.at[wid, p], colidx)
        pltpu.async_copy(g_hbm.at[rowidx.at[0]], msg0, sem0)
        lax.fori_loop(0, CPP // 2, step, 0)
    plsc.subcore_barrier()
    for k in range(ROWS_PER_TILE // C):
        r = sid * ROWS_PER_TILE + k * C
        pltpu.sync_copy(acc.at[pl.ds(r, C)], msg0)
        pltpu.sync_copy(msg0, p_hbm.at[cid, pl.ds(r, C)])


def _tc_b_body(p_ref, dis_ref, bconv_ref, gamma_ref, beta_ref,
               w2_ref, b2_ref, w3_ref, b3_ref, out_ref):
    p = p_ref[...]
    s = p[0] + p[1]
    out = dis_ref[...] * s + bconv_ref[...]
    z = jnp.maximum(out, 0.0)
    mu = jnp.mean(z, axis=1, keepdims=True)
    zc = z - mu
    var = jnp.mean(zc * zc, axis=1, keepdims=True)
    y = zc * lax.rsqrt(var + 1e-5) * gamma_ref[...] + beta_ref[...]
    rowids = lax.broadcasted_iota(jnp.int32, (NPAD, 1), 0)
    y = jnp.where(rowids < N, y, 0.0)
    pooled = jnp.sum(y, axis=0, keepdims=True)
    a = jnp.maximum(
        jnp.dot(pooled, w2_ref[...], preferred_element_type=jnp.float32)
        + b2_ref[...], 0.0)
    out_ref[...] = MAX_ACT * jnp.tanh(
        jnp.dot(a, w3_ref[...], preferred_element_type=jnp.float32)
        + b3_ref[...])


def _tc_b(p, dis, bconv, gamma, beta, w2, b2, w3, b3):
    return pl.pallas_call(
        _tc_b_body,
        out_shape=jax.ShapeDtypeStruct((1, A_DIM), jnp.float32),
    )(p, dis, bconv, gamma, beta, w2, b2, w3, b3)


def kernel(x, edge_index, W_conv, b_conv, gamma, beta, W2, b2, W3, b3):
    xp = jnp.pad(x, ((0, NPAD - N), (0, 0)))
    loop = jnp.arange(N, dtype=jnp.int32)
    npad_edges = E_PAD - (E + N)
    pad_idx = N + (jnp.arange(npad_edges, dtype=jnp.int32) % (NPAD - N))
    row = jnp.concatenate([edge_index[0], loop, pad_idx])
    col = jnp.concatenate([edge_index[1], loop, pad_idx])
    row4 = row.reshape(NW, PASSES, CPP, C)
    col4 = col.reshape(NW, PASSES, CPP, C)
    col3 = col.reshape(NW, NCHUNKS, C)

    onehot = jnp.zeros((2 * C, DW), jnp.float32).at[:C, 0].set(1.0)
    cnt = _deg_sc(col3, onehot)
    g, dis = _tc_a(xp, W_conv, cnt)
    zeros = jnp.zeros((C, H), jnp.float32)
    p = _main_sc(g, row4, col4, zeros)
    return _tc_b(p, dis, b_conv.reshape(1, H), gamma.reshape(1, H),
                 beta.reshape(1, H), W2, b2.reshape(1, H), W3,
                 b3.reshape(1, A_DIM))

# --- scband reference (transcript-rebuilt; emitter-appended) ---
"""Pipeline reference for scband-actor-76965813944959 (READ-ONLY COPY).

The authoritative reference and input builder live on the scoring server;
editing this copy changes nothing except your own understanding.
"""

import jax, jax.numpy as jnp
import numpy as np

N = 10000
E = 320000
D = 128
H = 128
A = 8
MAX_ACTION = 1.0


def setup_inputs(seed: int = 0) -> dict:
    key = jax.random.key(seed)
    ks = jax.random.split(key, 12)
    x = jax.random.normal(ks[0], (N, D), dtype=jnp.float32)
    edge_index = jax.random.randint(ks[1], (2, E), 0, N, dtype=jnp.int32)
    # GCNConv params (PyG: lin weight [out,in] -> store as [in,out] for matmul)
    W_conv = jax.random.normal(ks[2], (D, H), dtype=jnp.float32) * (1.0 / np.sqrt(D))
    b_conv = jnp.zeros((H,), dtype=jnp.float32)
    # LayerNorm params
    gamma = jnp.ones((H,), dtype=jnp.float32)
    beta = jnp.zeros((H,), dtype=jnp.float32)
    # l2, l3 linear params
    W2 = jax.random.normal(ks[3], (H, H), dtype=jnp.float32) * (1.0 / np.sqrt(H))
    b2 = jnp.zeros((H,), dtype=jnp.float32)
    W3 = jax.random.normal(ks[4], (H, A), dtype=jnp.float32) * (1.0 / np.sqrt(H))
    b3 = jnp.zeros((A,), dtype=jnp.float32)
    return {"x": x, "edge_index": edge_index, "W_conv": W_conv, "b_conv": b_conv,
            "gamma": gamma, "beta": beta, "W2": W2, "b2": b2, "W3": W3, "b3": b3}


def _gcn_conv(x, edge_index, W, b):
    # PyG GCNConv: add self-loops, symmetric normalization, linear transform, sum-aggregate
    row = edge_index[0]
    col = edge_index[1]
    loop = jnp.arange(N, dtype=row.dtype)
    row = jnp.concatenate([row, loop])
    col = jnp.concatenate([col, loop])
    ones = jnp.ones(row.shape, dtype=x.dtype)
    deg = jax.ops.segment_sum(ones, col, num_segments=N)
    deg_inv_sqrt = jnp.where(deg > 0, jax.lax.rsqrt(jnp.maximum(deg, 1e-12)), 0.0)
    norm = deg_inv_sqrt[row] * deg_inv_sqrt[col]
    h = x @ W
    msg = h[row] * norm[:, None]
    out = jax.ops.segment_sum(msg, col, num_segments=N)
    return out + b


def _layer_norm(x, gamma, beta, eps=1e-5):
    mu = jnp.mean(x, axis=-1, keepdims=True)
    var = jnp.mean((x - mu) ** 2, axis=-1, keepdims=True)
    xhat = (x - mu) * jax.lax.rsqrt(var + eps)
    return xhat * gamma + beta


def reference(x, edge_index, W_conv, b_conv, gamma, beta, W2, b2, W3, b3):
    h = jax.nn.relu(_gcn_conv(x, edge_index, W_conv, b_conv))
    h = _layer_norm(h, gamma, beta)
    # global_add_pool with batch = all zeros -> sum over all nodes -> [1, H]
    pooled = jnp.sum(h, axis=0, keepdims=True)
    a = jax.nn.relu(pooled @ W2 + b2)
    a = jnp.tanh(a @ W3 + b3)
    return MAX_ACTION * a

if __name__ == "__main__":
    import jax
    _d = setup_inputs()
    print(jax.jit(kernel)(*tuple(_d.values())))

</pallas_src>

<mosaic_0001>
#map = affine_map<(d0, d1) -> (0, 0)>
#map1 = affine_map<(d0, d1) -> (0, 0, 0, 0)>
#map2 = affine_map<(d0, d1) -> (0, 0, 0)>
module attributes {stable_mosaic.version = 14 : i64} {
  func.func @_main_sc(%arg0: i32, %arg1: i32, %arg2: memref<10240x128xf32, #tpu.memory_space<hbm>>, %arg3: memref<32x2x42x128xi32, #tpu.memory_space<hbm>>, %arg4: memref<32x2x42x128xi32, #tpu.memory_space<hbm>>, %arg5: memref<128x128xf32, #tpu.memory_space<hbm>>, %arg6: memref<2x10240x128xf32, #tpu.memory_space<hbm>>, %arg7: memref<42x128xi32, #tpu.memory_space<vmem>>, %arg8: memref<42x128xi32, #tpu.memory_space<vmem>>, %arg9: memref<128x128xf32, #tpu.memory_space<vmem>>, %arg10: memref<128x128xf32, #tpu.memory_space<vmem>>, %arg11: memref<10240x128xf32, #tpu.memory_space<vmem_shared>>, %arg12: memref<!tpu.dma_semaphore, #tpu.memory_space<semaphore_mem>>, %arg13: memref<!tpu.dma_semaphore, #tpu.memory_space<semaphore_mem>>) attributes {dimension_semantics = [#tpu.dimension_semantics<core_parallel>, #tpu.dimension_semantics<subcore_parallel>], iteration_bounds = array<i64: 2, 16>, scalar_prefetch = 0 : i64, scratch_operands = 7 : i64, tpu.core_type = #tpu.core_type<sc_vector_subcore>, window_params = [{transform_indices = #map}, {transform_indices = #map1}, {transform_indices = #map1}, {transform_indices = #map}, {transform_indices = #map2}]} {
    %mul3A = arith.constant 2 : i32
    %mul3A_0 = arith.muli %arg1, %mul3A : i32
    %add3A = arith.addi %mul3A_0, %arg0 : i32
    "tpu.region"() ({
      %run_scoped3A_71 = tpu.sem_alloc : memref<!tpu.dma_semaphore, #tpu.memory_space<semaphore_mem>>
      tpu.enqueue_dma source(%arg5 : memref<128x128xf32, #tpu.memory_space<hbm>>) target(%arg9 : memref<128x128xf32, #tpu.memory_space<vmem>>) target_semaphore(%run_scoped3A_71 : memref<!tpu.dma_semaphore, #tpu.memory_space<semaphore_mem>>)
      tpu.wait_dma2 semaphore(%run_scoped3A_71 : memref<!tpu.dma_semaphore, #tpu.memory_space<semaphore_mem>>) src(%arg5 : memref<128x128xf32, #tpu.memory_space<hbm>>) dst(%arg9 : memref<128x128xf32, #tpu.memory_space<vmem>>)
      tpu.yield
    }) : () -> ()
    %mul3A_1 = arith.constant 640 : i32
    %mul3A_2 = arith.muli %arg1, %mul3A_1 : i32
    %add3A_3 = arith.constant 0 : i32
    %add3A_4 = arith.addi %mul3A_2, %add3A_3 : i32
    "tpu.region"() ({
      %run_scoped3A_71 = tpu.sem_alloc : memref<!tpu.dma_semaphore, #tpu.memory_space<semaphore_mem>>
      %dma_start3A_72 = arith.constant 0 : i32
      %dma_start3A_73 = tpu.memref_slice %arg11[%add3A_4, %dma_start3A_72] : memref<10240x128xf32, #tpu.memory_space<vmem_shared>> -> memref<128x128xf32, #tpu.memory_space<vmem_shared>>
      %dma_start3A_74 = arith.constant 0 : i32
      %dma_start3A_75 = tpu.memref_slice %arg11[%add3A_4, %dma_start3A_74] : memref<10240x128xf32, #tpu.memory_space<vmem_shared>> -> memref<128x128xf32, #tpu.memory_space<vmem_shared>>
      tpu.enqueue_dma source(%arg9 : memref<128x128xf32, #tpu.memory_space<vmem>>) target(%dma_start3A_75 : memref<128x128xf32, #tpu.memory_space<vmem_shared>>) target_semaphore(%run_scoped3A_71 : memref<!tpu.dma_semaphore, #tpu.memory_space<semaphore_mem>>)
      %dma_wait3A = arith.constant 0 : i32
      %dma_wait3A_76 = tpu.memref_slice %arg11[%add3A_4, %dma_wait3A] : memref<10240x128xf32, #tpu.memory_space<vmem_shared>> -> memref<128x128xf32, #tpu.memory_space<vmem_shared>>
      %dma_wait3A_77 = arith.constant 0 : i32
      %dma_wait3A_78 = tpu.memref_slice %arg11[%add3A_4, %dma_wait3A_77] : memref<10240x128xf32, #tpu.memory_space<vmem_shared>> -> memref<128x128xf32, #tpu.memory_space<vmem_shared>>
      tpu.wait_dma2 semaphore(%run_scoped3A_71 : memref<!tpu.dma_semaphore, #tpu.memory_space<semaphore_mem>>) src(%arg9 : memref<128x128xf32, #tpu.memory_space<vmem>>) dst(%dma_wait3A_78 : memref<128x128xf32, #tpu.memory_space<vmem_shared>>)
      tpu.yield
    }) : () -> ()
    %mul3A_5 = arith.constant 640 : i32
    %mul3A_6 = arith.muli %arg1, %mul3A_5 : i32
    %add3A_7 = arith.constant 128 : i32
    %add3A_8 = arith.addi %mul3A_6, %add3A_7 : i32
    "tpu.region"() ({
      %run_scoped3A_71 = tpu.sem_alloc : memref<!tpu.dma_semaphore, #tpu.memory_space<semaphore_mem>>
      %dma_start3A_72 = arith.constant 0 : i32
      %dma_start3A_73 = tpu.memref_slice %arg11[%add3A_8, %dma_start3A_72] : memref<10240x128xf32, #tpu.memory_space<vmem_shared>> -> memref<128x128xf32, #tpu.memory_space<vmem_shared>>
      %dma_start3A_74 = arith.constant 0 : i32
      %dma_start3A_75 = tpu.memref_slice %arg11[%add3A_8, %dma_start3A_74] : memref<10240x128xf32, #tpu.memory_space<vmem_shared>> -> memref<128x128xf32, #tpu.memory_space<vmem_shared>>
      tpu.enqueue_dma source(%arg9 : memref<128x128xf32, #tpu.memory_space<vmem>>) target(%dma_start3A_75 : memref<128x128xf32, #tpu.memory_space<vmem_shared>>) target_semaphore(%run_scoped3A_71 : memref<!tpu.dma_semaphore, #tpu.memory_space<semaphore_mem>>)
      %dma_wait3A = arith.constant 0 : i32
      %dma_wait3A_76 = tpu.memref_slice %arg11[%add3A_8, %dma_wait3A] : memref<10240x128xf32, #tpu.memory_space<vmem_shared>> -> memref<128x128xf32, #tpu.memory_space<vmem_shared>>
      %dma_wait3A_77 = arith.constant 0 : i32
      %dma_wait3A_78 = tpu.memref_slice %arg11[%add3A_8, %dma_wait3A_77] : memref<10240x128xf32, #tpu.memory_space<vmem_shared>> -> memref<128x128xf32, #tpu.memory_space<vmem_shared>>
      tpu.wait_dma2 semaphore(%run_scoped3A_71 : memref<!tpu.dma_semaphore, #tpu.memory_space<semaphore_mem>>) src(%arg9 : memref<128x128xf32, #tpu.memory_space<vmem>>) dst(%dma_wait3A_78 : memref<128x128xf32, #tpu.memory_space<vmem_shared>>)
      tpu.yield
    }) : () -> ()
    %mul3A_9 = arith.constant 640 : i32
    %mul3A_10 = arith.muli %arg1, %mul3A_9 : i32
    %add3A_11 = arith.constant 256 : i32
    %add3A_12 = arith.addi %mul3A_10, %add3A_11 : i32
    "tpu.region"() ({
      %run_scoped3A_71 = tpu.sem_alloc : memref<!tpu.dma_semaphore, #tpu.memory_space<semaphore_mem>>
      %dma_start3A_72 = arith.constant 0 : i32
      %dma_start3A_73 = tpu.memref_slice %arg11[%add3A_12, %dma_start3A_72] : memref<10240x128xf32, #tpu.memory_space<vmem_shared>> -> memref<128x128xf32, #tpu.memory_space<vmem_shared>>
      %dma_start3A_74 = arith.constant 0 : i32
      %dma_start3A_75 = tpu.memref_slice %arg11[%add3A_12, %dma_start3A_74] : memref<10240x128xf32, #tpu.memory_space<vmem_shared>> -> memref<128x128xf32, #tpu.memory_space<vmem_shared>>
      tpu.enqueue_dma source(%arg9 : memref<128x128xf32, #tpu.memory_space<vmem>>) target(%dma_start3A_75 : memref<128x128xf32, #tpu.memory_space<vmem_shared>>) target_semaphore(%run_scoped3A_71 : memref<!tpu.dma_semaphore, #tpu.memory_space<semaphore_mem>>)
      %dma_wait3A = arith.constant 0 : i32
      %dma_wait3A_76 = tpu.memref_slice %arg11[%add3A_12, %dma_wait3A] : memref<10240x128xf32, #tpu.memory_space<vmem_shared>> -> memref<128x128xf32, #tpu.memory_space<vmem_shared>>
      %dma_wait3A_77 = arith.constant 0 : i32
      %dma_wait3A_78 = tpu.memref_slice %arg11[%add3A_12, %dma_wait3A_77] : memref<10240x128xf32, #tpu.memory_space<vmem_shared>> -> memref<128x128xf32, #tpu.memory_space<vmem_shared>>
      tpu.wait_dma2 semaphore(%run_scoped3A_71 : memref<!tpu.dma_semaphore, #tpu.memory_space<semaphore_mem>>) src(%arg9 : memref<128x128xf32, #tpu.memory_space<vmem>>) dst(%dma_wait3A_78 : memref<128x128xf32, #tpu.memory_space<vmem_shared>>)
      tpu.yield
    }) : () -> ()
    %mul3A_13 = arith.constant 640 : i32
    %mul3A_14 = arith.muli %arg1, %mul3A_13 : i32
    %add3A_15 = arith.constant 384 : i32
    %add3A_16 = arith.addi %mul3A_14, %add3A_15 : i32
    "tpu.region"() ({
      %run_scoped3A_71 = tpu.sem_alloc : memref<!tpu.dma_semaphore, #tpu.memory_space<semaphore_mem>>
      %dma_start3A_72 = arith.constant 0 : i32
      %dma_start3A_73 = tpu.memref_slice %arg11[%add3A_16, %dma_start3A_72] : memref<10240x128xf32, #tpu.memory_space<vmem_shared>> -> memref<128x128xf32, #tpu.memory_space<vmem_shared>>
      %dma_start3A_74 = arith.constant 0 : i32
      %dma_start3A_75 = tpu.memref_slice %arg11[%add3A_16, %dma_start3A_74] : memref<10240x128xf32, #tpu.memory_space<vmem_shared>> -> memref<128x128xf32, #tpu.memory_space<vmem_shared>>
      tpu.enqueue_dma source(%arg9 : memref<128x128xf32, #tpu.memory_space<vmem>>) target(%dma_start3A_75 : memref<128x128xf32, #tpu.memory_space<vmem_shared>>) target_semaphore(%run_scoped3A_71 : memref<!tpu.dma_semaphore, #tpu.memory_space<semaphore_mem>>)
      %dma_wait3A = arith.constant 0 : i32
      %dma_wait3A_76 = tpu.memref_slice %arg11[%add3A_16, %dma_wait3A] : memref<10240x128xf32, #tpu.memory_space<vmem_shared>> -> memref<128x128xf32, #tpu.memory_space<vmem_shared>>
      %dma_wait3A_77 = arith.constant 0 : i32
      %dma_wait3A_78 = tpu.memref_slice %arg11[%add3A_16, %dma_wait3A_77] : memref<10240x128xf32, #tpu.memory_space<vmem_shared>> -> memref<128x128xf32, #tpu.memory_space<vmem_shared>>
      tpu.wait_dma2 semaphore(%run_scoped3A_71 : memref<!tpu.dma_semaphore, #tpu.memory_space<semaphore_mem>>) src(%arg9 : memref<128x128xf32, #tpu.memory_space<vmem>>) dst(%dma_wait3A_78 : memref<128x128xf32, #tpu.memory_space<vmem_shared>>)
      tpu.yield
    }) : () -> ()
    %mul3A_17 = arith.constant 640 : i32
    %mul3A_18 = arith.muli %arg1, %mul3A_17 : i32
    %add3A_19 = arith.constant 512 : i32
    %add3A_20 = arith.addi %mul3A_18, %add3A_19 : i32
    "tpu.region"() ({
      %run_scoped3A_71 = tpu.sem_alloc : memref<!tpu.dma_semaphore, #tpu.memory_space<semaphore_mem>>
      %dma_start3A_72 = arith.constant 0 : i32
      %dma_start3A_73 = tpu.memref_slice %arg11[%add3A_20, %dma_start3A_72] : memref<10240x128xf32, #tpu.memory_space<vmem_shared>> -> memref<128x128xf32, #tpu.memory_space<vmem_shared>>
      %dma_start3A_74 = arith.constant 0 : i32
      %dma_start3A_75 = tpu.memref_slice %arg11[%add3A_20, %dma_start3A_74] : memref<10240x128xf32, #tpu.memory_space<vmem_shared>> -> memref<128x128xf32, #tpu.memory_space<vmem_shared>>
      tpu.enqueue_dma source(%arg9 : memref<128x128xf32, #tpu.memory_space<vmem>>) target(%dma_start3A_75 : memref<128x128xf32, #tpu.memory_space<vmem_shared>>) target_semaphore(%run_scoped3A_71 : memref<!tpu.dma_semaphore, #tpu.memory_space<semaphore_mem>>)
      %dma_wait3A = arith.constant 0 : i32
      %dma_wait3A_76 = tpu.memref_slice %arg11[%add3A_20, %dma_wait3A] : memref<10240x128xf32, #tpu.memory_space<vmem_shared>> -> memref<128x128xf32, #tpu.memory_space<vmem_shared>>
      %dma_wait3A_77 = arith.constant 0 : i32
      %dma_wait3A_78 = tpu.memref_slice %arg11[%add3A_20, %dma_wait3A_77] : memref<10240x128xf32, #tpu.memory_space<vmem_shared>> -> memref<128x128xf32, #tpu.memory_space<vmem_shared>>
      tpu.wait_dma2 semaphore(%run_scoped3A_71 : memref<!tpu.dma_semaphore, #tpu.memory_space<semaphore_mem>>) src(%arg9 : memref<128x128xf32, #tpu.memory_space<vmem>>) dst(%dma_wait3A_78 : memref<128x128xf32, #tpu.memory_space<vmem_shared>>)
      tpu.yield
    }) : () -> ()
    %barrier3A = arith.constant 0 : index
    tpu.barrier barrier_id(%barrier3A)
    %run_scoped3A = arith.constant 0 : i32
    "tpu.region"() ({
      %run_scoped3A_71 = tpu.sem_alloc : memref<!tpu.dma_semaphore, #tpu.memory_space<semaphore_mem>>
      %dma_start3A_72 = arith.constant 0 : i32
      %dma_start3A_73 = arith.constant 0 : i32
      %dma_start3A_74 = tpu.memref_slice %arg3[%add3A, %run_scoped3A, %dma_start3A_72, %dma_start3A_73] : memref<32x2x42x128xi32, #tpu.memory_space<hbm>> -> memref<1x1x42x128xi32, #tpu.memory_space<hbm>>
      %dma_start3A_75 = tpu.memref_squeeze %dma_start3A_74 : memref<1x1x42x128xi32, #tpu.memory_space<hbm>> -> memref<42x128xi32, #tpu.memory_space<hbm>>
      %dma_start3A_76 = arith.constant 0 : i32
      %dma_start3A_77 = arith.constant 0 : i32
      %dma_start3A_78 = tpu.memref_slice %arg3[%add3A, %run_scoped3A, %dma_start3A_76, %dma_start3A_77] : memref<32x2x42x128xi32, #tpu.memory_space<hbm>> -> memref<1x1x42x128xi32, #tpu.memory_space<hbm>>
      %dma_start3A_79 = tpu.memref_squeeze %dma_start3A_78 : memref<1x1x42x128xi32, #tpu.memory_space<hbm>> -> memref<42x128xi32, #tpu.memory_space<hbm>>
      tpu.enqueue_dma source(%dma_start3A_79 : memref<42x128xi32, #tpu.memory_space<hbm>>) target(%arg7 : memref<42x128xi32, #tpu.memory_space<vmem>>) target_semaphore(%run_scoped3A_71 : memref<!tpu.dma_semaphore, #tpu.memory_space<semaphore_mem>>)
      %dma_wait3A = arith.constant 0 : i32
      %dma_wait3A_80 = arith.constant 0 : i32
      %dma_wait3A_81 = tpu.memref_slice %arg3[%add3A, %run_scoped3A, %dma_wait3A, %dma_wait3A_80] : memref<32x2x42x128xi32, #tpu.memory_space<hbm>> -> memref<1x1x42x128xi32, #tpu.memory_space<hbm>>
      %dma_wait3A_82 = tpu.memref_squeeze %dma_wait3A_81 : memref<1x1x42x128xi32, #tpu.memory_space<hbm>> -> memref<42x128xi32, #tpu.memory_space<hbm>>
      %dma_wait3A_83 = arith.constant 0 : i32
      %dma_wait3A_84 = arith.constant 0 : i32
      %dma_wait3A_85 = tpu.memref_slice %arg3[%add3A, %run_scoped3A, %dma_wait3A_83, %dma_wait3A_84] : memref<32x2x42x128xi32, #tpu.memory_space<hbm>> -> memref<1x1x42x128xi32, #tpu.memory_space<hbm>>
      %dma_wait3A_86 = tpu.memref_squeeze %dma_wait3A_85 : memref<1x1x42x128xi32, #tpu.memory_space<hbm>> -> memref<42x128xi32, #tpu.memory_space<hbm>>
      tpu.wait_dma2 semaphore(%run_scoped3A_71 : memref<!tpu.dma_semaphore, #tpu.memory_space<semaphore_mem>>) src(%dma_wait3A_86 : memref<42x128xi32, #tpu.memory_space<hbm>>) dst(%arg7 : memref<42x128xi32, #tpu.memory_space<vmem>>)
      tpu.yield
    }) : () -> ()
    %run_scoped3A_21 = arith.constant 0 : i32
    "tpu.region"() ({
      %run_scoped3A_71 = tpu.sem_alloc : memref<!tpu.dma_semaphore, #tpu.memory_space<semaphore_mem>>
      %dma_start3A_72 = arith.constant 0 : i32
      %dma_start3A_73 = arith.constant 0 : i32
      %dma_start3A_74 = tpu.memref_slice %arg4[%add3A, %run_scoped3A_21, %dma_start3A_72, %dma_start3A_73] : memref<32x2x42x128xi32, #tpu.memory_space<hbm>> -> memref<1x1x42x128xi32, #tpu.memory_space<hbm>>
      %dma_start3A_75 = tpu.memref_squeeze %dma_start3A_74 : memref<1x1x42x128xi32, #tpu.memory_space<hbm>> -> memref<42x128xi32, #tpu.memory_space<hbm>>
      %dma_start3A_76 = arith.constant 0 : i32
      %dma_start3A_77 = arith.constant 0 : i32
      %dma_start3A_78 = tpu.memref_slice %arg4[%add3A, %run_scoped3A_21, %dma_start3A_76, %dma_start3A_77] : memref<32x2x42x128xi32, #tpu.memory_space<hbm>> -> memref<1x1x42x128xi32, #tpu.memory_space<hbm>>
      %dma_start3A_79 = tpu.memref_squeeze %dma_start3A_78 : memref<1x1x42x128xi32, #tpu.memory_space<hbm>> -> memref<42x128xi32, #tpu.memory_space<hbm>>
      tpu.enqueue_dma source(%dma_start3A_79 : memref<42x128xi32, #tpu.memory_space<hbm>>) target(%arg8 : memref<42x128xi32, #tpu.memory_space<vmem>>) target_semaphore(%run_scoped3A_71 : memref<!tpu.dma_semaphore, #tpu.memory_space<semaphore_mem>>)
      %dma_wait3A = arith.constant 0 : i32
      %dma_wait3A_80 = arith.constant 0 : i32
      %dma_wait3A_81 = tpu.memref_slice %arg4[%add3A, %run_scoped3A_21, %dma_wait3A, %dma_wait3A_80] : memref<32x2x42x128xi32, #tpu.memory_space<hbm>> -> memref<1x1x42x128xi32, #tpu.memory_space<hbm>>
      %dma_wait3A_82 = tpu.memref_squeeze %dma_wait3A_81 : memref<1x1x42x128xi32, #tpu.memory_space<hbm>> -> memref<42x128xi32, #tpu.memory_space<hbm>>
      %dma_wait3A_83 = arith.constant 0 : i32
      %dma_wait3A_84 = arith.constant 0 : i32
      %dma_wait3A_85 = tpu.memref_slice %arg4[%add3A, %run_scoped3A_21, %dma_wait3A_83, %dma_wait3A_84] : memref<32x2x42x128xi32, #tpu.memory_space<hbm>> -> memref<1x1x42x128xi32, #tpu.memory_space<hbm>>
      %dma_wait3A_86 = tpu.memref_squeeze %dma_wait3A_85 : memref<1x1x42x128xi32, #tpu.memory_space<hbm>> -> memref<42x128xi32, #tpu.memory_space<hbm>>
      tpu.wait_dma2 semaphore(%run_scoped3A_71 : memref<!tpu.dma_semaphore, #tpu.memory_space<semaphore_mem>>) src(%dma_wait3A_86 : memref<42x128xi32, #tpu.memory_space<hbm>>) dst(%arg8 : memref<42x128xi32, #tpu.memory_space<vmem>>)
      tpu.yield
    }) : () -> ()
    %dma_start3A = arith.constant 0 : i32
    %dma_start3A_22 = arith.constant 0 : i32
    %dma_start3A_23 = tpu.memref_slice %arg7[%dma_start3A, %dma_start3A_22] : memref<42x128xi32, #tpu.memory_space<vmem>> -> memref<1x128xi32, #tpu.memory_space<vmem>>
    %dma_start3A_24 = tpu.memref_squeeze %dma_start3A_23 : memref<1x128xi32, #tpu.memory_space<vmem>> -> memref<128xi32, #tpu.memory_space<vmem>>
    %dma_start3A_25 = arith.constant 0 : i32
    %dma_start3A_26 = arith.constant 0 : i32
    %dma_start3A_27 = tpu.memref_slice %arg2[%dma_start3A_25, %dma_start3A_26] : memref<10240x128xf32, #tpu.memory_space<hbm>> -> memref<10240x128xf32, #tpu.memory_space<hbm>>
    tpu.enqueue_indirect_dma source(%dma_start3A_27 : memref<10240x128xf32, #tpu.memory_space<hbm>>) target(%arg9 : memref<128x128xf32, #tpu.memory_space<vmem>>) offsets(%dma_start3A_24 : memref<128xi32, #tpu.memory_space<vmem>>) semaphore(%arg12 : memref<!tpu.dma_semaphore, #tpu.memory_space<semaphore_mem>>)
    %scan3A = arith.constant 0 : i32
    %scan3A_28 = arith.constant 0 : i32
    %scan3A_29 = arith.constant 21 : i32
    %scan3A_30 = arith.addi %scan3A_28, %scan3A_29 : i32
    %scan3A_31 = arith.constant 1 : i32
    %scan3A_32 = scf.for %scan3A_71 = %scan3A_28 to %scan3A_30 step %scan3A_31 iter_args(%scan3A_72 = %scan3A) -> (i32)  : i32 {
      %mul3A_73 = arith.constant 2 : i32
      %mul3A_74 = arith.muli %scan3A_71, %mul3A_73 : i32
      %add3A_75 = arith.constant 1 : i32
      %add3A_76 = arith.addi %mul3A_74, %add3A_75 : i32
      %dma_start3A_77 = arith.constant 0 : i32
      %dma_start3A_78 = tpu.memref_slice %arg7[%add3A_76, %dma_start3A_77] : memref<42x128xi32, #tpu.memory_space<vmem>> -> memref<1x128xi32, #tpu.memory_space<vmem>>
      %dma_start3A_79 = tpu.memref_squeeze %dma_start3A_78 : memref<1x128xi32, #tpu.memory_space<vmem>> -> memref<128xi32, #tpu.memory_space<vmem>>
      %dma_start3A_80 = arith.constant 0 : i32
      %dma_start3A_81 = arith.constant 0 : i32
      %dma_start3A_82 = tpu.memref_slice %arg2[%dma_start3A_80, %dma_start3A_81] : memref<10240x128xf32, #tpu.memory_space<hbm>> -> memref<10240x128xf32, #tpu.memory_space<hbm>>
      tpu.enqueue_indirect_dma source(%dma_start3A_82 : memref<10240x128xf32, #tpu.memory_space<hbm>>) target(%arg10 : memref<128x128xf32, #tpu.memory_space<vmem>>) offsets(%dma_start3A_79 : memref<128xi32, #tpu.memory_space<vmem>>) semaphore(%arg13 : memref<!tpu.dma_semaphore, #tpu.memory_space<semaphore_mem>>)
      %dma_wait3A = arith.constant 0 : i32
      %dma_wait3A_83 = tpu.memref_slice %arg7[%mul3A_74, %dma_wait3A] : memref<42x128xi32, #tpu.memory_space<vmem>> -> memref<1x128xi32, #tpu.memory_space<vmem>>
      %dma_wait3A_84 = tpu.memref_squeeze %dma_wait3A_83 : memref<1x128xi32, #tpu.memory_space<vmem>> -> memref<128xi32, #tpu.memory_space<vmem>>
      %dma_wait3A_85 = arith.constant 0 : i32
      %dma_wait3A_86 = arith.constant 0 : i32
      %dma_wait3A_87 = tpu.memref_slice %arg2[%dma_wait3A_85, %dma_wait3A_86] : memref<10240x128xf32, #tpu.memory_space<hbm>> -> memref<10240x128xf32, #tpu.memory_space<hbm>>
      tpu.wait_indirect_dma semaphore(%arg12 : memref<!tpu.dma_semaphore, #tpu.memory_space<semaphore_mem>>) src(%dma_wait3A_87 : memref<10240x128xf32, #tpu.memory_space<hbm>>) dst(%arg9 : memref<128x128xf32, #tpu.memory_space<vmem>>)
      "tpu.region"() ({
        %run_scoped3A_97 = tpu.sem_alloc : memref<!tpu.dma_semaphore, #tpu.memory_space<semaphore_mem>>
        %dma_start3A_98 = arith.constant 0 : i32
        %dma_start3A_99 = tpu.memref_slice %arg8[%mul3A_74, %dma_start3A_98] : memref<42x128xi32, #tpu.memory_space<vmem>> -> memref<1x128xi32, #tpu.memory_space<vmem>>
        %dma_start3A_100 = tpu.memref_squeeze %dma_start3A_99 : memref<1x128xi32, #tpu.memory_space<vmem>> -> memref<128xi32, #tpu.memory_space<vmem>>
        %dma_start3A_101 = arith.constant 0 : i32
        %dma_start3A_102 = arith.constant 0 : i32
        %dma_start3A_103 = tpu.memref_slice %arg11[%dma_start3A_101, %dma_start3A_102] : memref<10240x128xf32, #tpu.memory_space<vmem_shared>> -> memref<10240x128xf32, #tpu.memory_space<vmem_shared>>
        tpu.enqueue_indirect_dma source(%arg9 : memref<128x128xf32, #tpu.memory_space<vmem>>) target(%dma_start3A_103 : memref<10240x128xf32, #tpu.memory_space<vmem_shared>>) offsets(%dma_start3A_100 : memref<128xi32, #tpu.memory_space<vmem>>) semaphore(%run_scoped3A_97 : memref<!tpu.dma_semaphore, #tpu.memory_space<semaphore_mem>>) {add = true}
        %dma_wait3A_104 = arith.constant 0 : i32
        %dma_wait3A_105 = tpu.memref_slice %arg8[%mul3A_74, %dma_wait3A_104] : memref<42x128xi32, #tpu.memory_space<vmem>> -> memref<1x128xi32, #tpu.memory_space<vmem>>
        %dma_wait3A_106 = tpu.memref_squeeze %dma_wait3A_105 : memref<1x128xi32, #tpu.memory_space<vmem>> -> memref<128xi32, #tpu.memory_space<vmem>>
        %dma_wait3A_107 = arith.constant 0 : i32
        %dma_wait3A_108 = arith.constant 0 : i32
        %dma_wait3A_109 = tpu.memref_slice %arg11[%dma_wait3A_107, %dma_wait3A_108] : memref<10240x128xf32, #tpu.memory_space<vmem_shared>> -> memref<10240x128xf32, #tpu.memory_space<vmem_shared>>
        tpu.wait_indirect_dma semaphore(%run_scoped3A_97 : memref<!tpu.dma_semaphore, #tpu.memory_space<semaphore_mem>>) src(%arg9 : memref<128x128xf32, #tpu.memory_space<vmem>>) dst(%dma_wait3A_109 : memref<10240x128xf32, #tpu.memory_space<vmem_shared>>)
        tpu.yield
      }) : () -> ()
      %lt3A = arith.constant 20 : i32
      %lt3A_88 = arith.cmpi slt, %scan3A_71, %lt3A : i32
      %convert_element_type3A = arith.extui %lt3A_88 : i1 to i32
      %cond3A = arith.constant 0 : i32
      %cond3A_89 = arith.cmpi ne, %convert_element_type3A, %cond3A : i32
      scf.if %cond3A_89 {
        %add3A_97 = arith.constant 2 : i32
        %add3A_98 = arith.addi %mul3A_74, %add3A_97 : i32
        %dma_start3A_99 = arith.constant 0 : i32
        %dma_start3A_100 = tpu.memref_slice %arg7[%add3A_98, %dma_start3A_99] : memref<42x128xi32, #tpu.memory_space<vmem>> -> memref<1x128xi32, #tpu.memory_space<vmem>>
        %dma_start3A_101 = tpu.memref_squeeze %dma_start3A_100 : memref<1x128xi32, #tpu.memory_space<vmem>> -> memref<128xi32, #tpu.memory_space<vmem>>
        %dma_start3A_102 = arith.constant 0 : i32
        %dma_start3A_103 = arith.constant 0 : i32
        %dma_start3A_104 = tpu.memref_slice %arg2[%dma_start3A_102, %dma_start3A_103] : memref<10240x128xf32, #tpu.memory_space<hbm>> -> memref<10240x128xf32, #tpu.memory_space<hbm>>
        tpu.enqueue_indirect_dma source(%dma_start3A_104 : memref<10240x128xf32, #tpu.memory_space<hbm>>) target(%arg9 : memref<128x128xf32, #tpu.memory_space<vmem>>) offsets(%dma_start3A_101 : memref<128xi32, #tpu.memory_space<vmem>>) semaphore(%arg12 : memref<!tpu.dma_semaphore, #tpu.memory_space<semaphore_mem>>)
      } else {
      }
      %dma_wait3A_90 = arith.constant 0 : i32
      %dma_wait3A_91 = tpu.memref_slice %arg7[%add3A_76, %dma_wait3A_90] : memref<42x128xi32, #tpu.memory_space<vmem>> -> memref<1x128xi32, #tpu.memory_space<vmem>>
      %dma_wait3A_92 = tpu.memref_squeeze %dma_wait3A_91 : memref<1x128xi32, #tpu.memory_space<vmem>> -> memref<128xi32, #tpu.memory_space<vmem>>
      %dma_wait3A_93 = arith.constant 0 : i32
      %dma_wait3A_94 = arith.constant 0 : i32
      %dma_wait3A_95 = tpu.memref_slice %arg2[%dma_wait3A_93, %dma_wait3A_94] : memref<10240x128xf32, #tpu.memory_space<hbm>> -> memref<10240x128xf32, #tpu.memory_space<hbm>>
      tpu.wait_indirect_dma semaphore(%arg13 : memref<!tpu.dma_semaphore, #tpu.memory_space<semaphore_mem>>) src(%dma_wait3A_95 : memref<10240x128xf32, #tpu.memory_space<hbm>>) dst(%arg10 : memref<128x128xf32, #tpu.memory_space<vmem>>)
      "tpu.region"() ({
        %run_scoped3A_97 = tpu.sem_alloc : memref<!tpu.dma_semaphore, #tpu.memory_space<semaphore_mem>>
        %dma_start3A_98 = arith.constant 0 : i32
        %dma_start3A_99 = tpu.memref_slice %arg8[%add3A_76, %dma_start3A_98] : memref<42x128xi32, #tpu.memory_space<vmem>> -> memref<1x128xi32, #tpu.memory_space<vmem>>
        %dma_start3A_100 = tpu.memref_squeeze %dma_start3A_99 : memref<1x128xi32, #tpu.memory_space<vmem>> -> memref<128xi32, #tpu.memory_space<vmem>>
        %dma_start3A_101 = arith.constant 0 : i32
        %dma_start3A_102 = arith.constant 0 : i32
        %dma_start3A_103 = tpu.memref_slice %arg11[%dma_start3A_101, %dma_start3A_102] : memref<10240x128xf32, #tpu.memory_space<vmem_shared>> -> memref<10240x128xf32, #tpu.memory_space<vmem_shared>>
        tpu.enqueue_indirect_dma source(%arg10 : memref<128x128xf32, #tpu.memory_space<vmem>>) target(%dma_start3A_103 : memref<10240x128xf32, #tpu.memory_space<vmem_shared>>) offsets(%dma_start3A_100 : memref<128xi32, #tpu.memory_space<vmem>>) semaphore(%run_scoped3A_97 : memref<!tpu.dma_semaphore, #tpu.memory_space<semaphore_mem>>) {add = true}
        %dma_wait3A_104 = arith.constant 0 : i32
        %dma_wait3A_105 = tpu.memref_slice %arg8[%add3A_76, %dma_wait3A_104] : memref<42x128xi32, #tpu.memory_space<vmem>> -> memref<1x128xi32, #tpu.memory_space<vmem>>
        %dma_wait3A_106 = tpu.memref_squeeze %dma_wait3A_105 : memref<1x128xi32, #tpu.memory_space<vmem>> -> memref<128xi32, #tpu.memory_space<vmem>>
        %dma_wait3A_107 = arith.constant 0 : i32
        %dma_wait3A_108 = arith.constant 0 : i32
        %dma_wait3A_109 = tpu.memref_slice %arg11[%dma_wait3A_107, %dma_wait3A_108] : memref<10240x128xf32, #tpu.memory_space<vmem_shared>> -> memref<10240x128xf32, #tpu.memory_space<vmem_shared>>
        tpu.wait_indirect_dma semaphore(%run_scoped3A_97 : memref<!tpu.dma_semaphore, #tpu.memory_space<semaphore_mem>>) src(%arg10 : memref<128x128xf32, #tpu.memory_space<vmem>>) dst(%dma_wait3A_109 : memref<10240x128xf32, #tpu.memory_space<vmem_shared>>)
        tpu.yield
      }) : () -> ()
      %scan3A_96 = arith.constant 0 : i32
      scf.yield %scan3A_96 : i32
    }
    %scan3A_33 = arith.constant 21 : i32
    %run_scoped3A_34 = arith.constant 1 : i32
    "tpu.region"() ({
      %run_scoped3A_71 = tpu.sem_alloc : memref<!tpu.dma_semaphore, #tpu.memory_space<semaphore_mem>>
      %dma_start3A_72 = arith.constant 0 : i32
      %dma_start3A_73 = arith.constant 0 : i32
      %dma_start3A_74 = tpu.memref_slice %arg3[%add3A, %run_scoped3A_34, %dma_start3A_72, %dma_start3A_73] : memref<32x2x42x128xi32, #tpu.memory_space<hbm>> -> memref<1x1x42x128xi32, #tpu.memory_space<hbm>>
      %dma_start3A_75 = tpu.memref_squeeze %dma_start3A_74 : memref<1x1x42x128xi32, #tpu.memory_space<hbm>> -> memref<42x128xi32, #tpu.memory_space<hbm>>
      %dma_start3A_76 = arith.constant 0 : i32
      %dma_start3A_77 = arith.constant 0 : i32
      %dma_start3A_78 = tpu.memref_slice %arg3[%add3A, %run_scoped3A_34, %dma_start3A_76, %dma_start3A_77] : memref<32x2x42x128xi32, #tpu.memory_space<hbm>> -> memref<1x1x42x128xi32, #tpu.memory_space<hbm>>
      %dma_start3A_79 = tpu.memref_squeeze %dma_start3A_78 : memref<1x1x42x128xi32, #tpu.memory_space<hbm>> -> memref<42x128xi32, #tpu.memory_space<hbm>>
      tpu.enqueue_dma source(%dma_start3A_79 : memref<42x128xi32, #tpu.memory_space<hbm>>) target(%arg7 : memref<42x128xi32, #tpu.memory_space<vmem>>) target_semaphore(%run_scoped3A_71 : memref<!tpu.dma_semaphore, #tpu.memory_space<semaphore_mem>>)
      %dma_wait3A = arith.constant 0 : i32
      %dma_wait3A_80 = arith.constant 0 : i32
      %dma_wait3A_81 = tpu.memref_slice %arg3[%add3A, %run_scoped3A_34, %dma_wait3A, %dma_wait3A_80] : memref<32x2x42x128xi32, #tpu.memory_space<hbm>> -> memref<1x1x42x128xi32, #tpu.memory_space<hbm>>
      %dma_wait3A_82 = tpu.memref_squeeze %dma_wait3A_81 : memref<1x1x42x128xi32, #tpu.memory_space<hbm>> -> memref<42x128xi32, #tpu.memory_space<hbm>>
      %dma_wait3A_83 = arith.constant 0 : i32
      %dma_wait3A_84 = arith.constant 0 : i32
      %dma_wait3A_85 = tpu.memref_slice %arg3[%add3A, %run_scoped3A_34, %dma_wait3A_83, %dma_wait3A_84] : memref<32x2x42x128xi32, #tpu.memory_space<hbm>> -> memref<1x1x42x128xi32, #tpu.memory_space<hbm>>
      %dma_wait3A_86 = tpu.memref_squeeze %dma_wait3A_85 : memref<1x1x42x128xi32, #tpu.memory_space<hbm>> -> memref<42x128xi32, #tpu.memory_space<hbm>>
      tpu.wait_dma2 semaphore(%run_scoped3A_71 : memref<!tpu.dma_semaphore, #tpu.memory_space<semaphore_mem>>) src(%dma_wait3A_86 : memref<42x128xi32, #tpu.memory_space<hbm>>) dst(%arg7 : memref<42x128xi32, #tpu.memory_space<vmem>>)
      tpu.yield
    }) : () -> ()
    %run_scoped3A_35 = arith.constant 1 : i32
    "tpu.region"() ({
      %run_scoped3A_71 = tpu.sem_alloc : memref<!tpu.dma_semaphore, #tpu.memory_space<semaphore_mem>>
      %dma_start3A_72 = arith.constant 0 : i32
      %dma_start3A_73 = arith.constant 0 : i32
      %dma_start3A_74 = tpu.memref_slice %arg4[%add3A, %run_scoped3A_35, %dma_start3A_72, %dma_start3A_73] : memref<32x2x42x128xi32, #tpu.memory_space<hbm>> -> memref<1x1x42x128xi32, #tpu.memory_space<hbm>>
      %dma_start3A_75 = tpu.memref_squeeze %dma_start3A_74 : memref<1x1x42x128xi32, #tpu.memory_space<hbm>> -> memref<42x128xi32, #tpu.memory_space<hbm>>
      %dma_start3A_76 = arith.constant 0 : i32
      %dma_start3A_77 = arith.constant 0 : i32
      %dma_start3A_78 = tpu.memref_slice %arg4[%add3A, %run_scoped3A_35, %dma_start3A_76, %dma_start3A_77] : memref<32x2x42x128xi32, #tpu.memory_space<hbm>> -> memref<1x1x42x128xi32, #tpu.memory_space<hbm>>
      %dma_start3A_79 = tpu.memref_squeeze %dma_start3A_78 : memref<1x1x42x128xi32, #tpu.memory_space<hbm>> -> memref<42x128xi32, #tpu.memory_space<hbm>>
      tpu.enqueue_dma source(%dma_start3A_79 : memref<42x128xi32, #tpu.memory_space<hbm>>) target(%arg8 : memref<42x128xi32, #tpu.memory_space<vmem>>) target_semaphore(%run_scoped3A_71 : memref<!tpu.dma_semaphore, #tpu.memory_space<semaphore_mem>>)
      %dma_wait3A = arith.constant 0 : i32
      %dma_wait3A_80 = arith.constant 0 : i32
      %dma_wait3A_81 = tpu.memref_slice %arg4[%add3A, %run_scoped3A_35, %dma_wait3A, %dma_wait3A_80] : memref<32x2x42x128xi32, #tpu.memory_space<hbm>> -> memref<1x1x42x128xi32, #tpu.memory_space<hbm>>
      %dma_wait3A_82 = tpu.memref_squeeze %dma_wait3A_81 : memref<1x1x42x128xi32, #tpu.memory_space<hbm>> -> memref<42x128xi32, #tpu.memory_space<hbm>>
      %dma_wait3A_83 = arith.constant 0 : i32
      %dma_wait3A_84 = arith.constant 0 : i32
      %dma_wait3A_85 = tpu.memref_slice %arg4[%add3A, %run_scoped3A_35, %dma_wait3A_83, %dma_wait3A_84] : memref<32x2x42x128xi32, #tpu.memory_space<hbm>> -> memref<1x1x42x128xi32, #tpu.memory_space<hbm>>
      %dma_wait3A_86 = tpu.memref_squeeze %dma_wait3A_85 : memref<1x1x42x128xi32, #tpu.memory_space<hbm>> -> memref<42x128xi32, #tpu.memory_space<hbm>>
      tpu.wait_dma2 semaphore(%run_scoped3A_71 : memref<!tpu.dma_semaphore, #tpu.memory_space<semaphore_mem>>) src(%dma_wait3A_86 : memref<42x128xi32, #tpu.memory_space<hbm>>) dst(%arg8 : memref<42x128xi32, #tpu.memory_space<vmem>>)
      tpu.yield
    }) : () -> ()
    %dma_start3A_36 = arith.constant 0 : i32
    %dma_start3A_37 = arith.constant 0 : i32
    %dma_start3A_38 = tpu.memref_slice %arg7[%dma_start3A_36, %dma_start3A_37] : memref<42x128xi32, #tpu.memory_space<vmem>> -> memref<1x128xi32, #tpu.memory_space<vmem>>
    %dma_start3A_39 = tpu.memref_squeeze %dma_start3A_38 : memref<1x128xi32, #tpu.memory_space<vmem>> -> memref<128xi32, #tpu.memory_space<vmem>>
    %dma_start3A_40 = arith.constant 0 : i32
    %dma_start3A_41 = arith.constant 0 : i32
    %dma_start3A_42 = tpu.memref_slice %arg2[%dma_start3A_40, %dma_start3A_41] : memref<10240x128xf32, #tpu.memory_space<hbm>> -> memref<10240x128xf32, #tpu.memory_space<hbm>>
    tpu.enqueue_indirect_dma source(%dma_start3A_42 : memref<10240x128xf32, #tpu.memory_space<hbm>>) target(%arg9 : memref<128x128xf32, #tpu.memory_space<vmem>>) offsets(%dma_start3A_39 : memref<128xi32, #tpu.memory_space<vmem>>) semaphore(%arg12 : memref<!tpu.dma_semaphore, #tpu.memory_space<semaphore_mem>>)
    %scan3A_43 = arith.constant 0 : i32
    %scan3A_44 = arith.constant 0 : i32
    %scan3A_45 = arith.constant 21 : i32
    %scan3A_46 = arith.addi %scan3A_44, %scan3A_45 : i32
    %scan3A_47 = arith.constant 1 : i32
    %scan3A_48 = scf.for %scan3A_71 = %scan3A_44 to %scan3A_46 step %scan3A_47 iter_args(%scan3A_72 = %scan3A_43) -> (i32)  : i32 {
      %mul3A_73 = arith.constant 2 : i32
      %mul3A_74 = arith.muli %scan3A_71, %mul3A_73 : i32
      %add3A_75 = arith.constant 1 : i32
      %add3A_76 = arith.addi %mul3A_74, %add3A_75 : i32
      %dma_start3A_77 = arith.constant 0 : i32
      %dma_start3A_78 = tpu.memref_slice %arg7[%add3A_76, %dma_start3A_77] : memref<42x128xi32, #tpu.memory_space<vmem>> -> memref<1x128xi32, #tpu.memory_space<vmem>>
      %dma_start3A_79 = tpu.memref_squeeze %dma_start3A_78 : memref<1x128xi32, #tpu.memory_space<vmem>> -> memref<128xi32, #tpu.memory_space<vmem>>
      %dma_start3A_80 = arith.constant 0 : i32
      %dma_start3A_81 = arith.constant 0 : i32
      %dma_start3A_82 = tpu.memref_slice %arg2[%dma_start3A_80, %dma_start3A_81] : memref<10240x128xf32, #tpu.memory_space<hbm>> -> memref<10240x128xf32, #tpu.memory_space<hbm>>
      tpu.enqueue_indirect_dma source(%dma_start3A_82 : memref<10240x128xf32, #tpu.memory_space<hbm>>) target(%arg10 : memref<128x128xf32, #tpu.memory_space<vmem>>) offsets(%dma_start3A_79 : memref<128xi32, #tpu.memory_space<vmem>>) semaphore(%arg13 : memref<!tpu.dma_semaphore, #tpu.memory_space<semaphore_mem>>)
      %dma_wait3A = arith.constant 0 : i32
      %dma_wait3A_83 = tpu.memref_slice %arg7[%mul3A_74, %dma_wait3A] : memref<42x128xi32, #tpu.memory_space<vmem>> -> memref<1x128xi32, #tpu.memory_space<vmem>>
      %dma_wait3A_84 = tpu.memref_squeeze %dma_wait3A_83 : memref<1x128xi32, #tpu.memory_space<vmem>> -> memref<128xi32, #tpu.memory_space<vmem>>
      %dma_wait3A_85 = arith.constant 0 : i32
      %dma_wait3A_86 = arith.constant 0 : i32
      %dma_wait3A_87 = tpu.memref_slice %arg2[%dma_wait3A_85, %dma_wait3A_86] : memref<10240x128xf32, #tpu.memory_space<hbm>> -> memref<10240x128xf32, #tpu.memory_space<hbm>>
      tpu.wait_indirect_dma semaphore(%arg12 : memref<!tpu.dma_semaphore, #tpu.memory_space<semaphore_mem>>) src(%dma_wait3A_87 : memref<10240x128xf32, #tpu.memory_space<hbm>>) dst(%arg9 : memref<128x128xf32, #tpu.memory_space<vmem>>)
      "tpu.region"() ({
        %run_scoped3A_97 = tpu.sem_alloc : memref<!tpu.dma_semaphore, #tpu.memory_space<semaphore_mem>>
        %dma_start3A_98 = arith.constant 0 : i32
        %dma_start3A_99 = tpu.memref_slice %arg8[%mul3A_74, %dma_start3A_98] : memref<42x128xi32, #tpu.memory_space<vmem>> -> memref<1x128xi32, #tpu.memory_space<vmem>>
        %dma_start3A_100 = tpu.memref_squeeze %dma_start3A_99 : memref<1x128xi32, #tpu.memory_space<vmem>> -> memref<128xi32, #tpu.memory_space<vmem>>
        %dma_start3A_101 = arith.constant 0 : i32
        %dma_start3A_102 = arith.constant 0 : i32
        %dma_start3A_103 = tpu.memref_slice %arg11[%dma_start3A_101, %dma_start3A_102] : memref<10240x128xf32, #tpu.memory_space<vmem_shared>> -> memref<10240x128xf32, #tpu.memory_space<vmem_shared>>
        tpu.enqueue_indirect_dma source(%arg9 : memref<128x128xf32, #tpu.memory_space<vmem>>) target(%dma_start3A_103 : memref<10240x128xf32, #tpu.memory_space<vmem_shared>>) offsets(%dma_start3A_100 : memref<128xi32, #tpu.memory_space<vmem>>) semaphore(%run_scoped3A_97 : memref<!tpu.dma_semaphore, #tpu.memory_space<semaphore_mem>>) {add = true}
        %dma_wait3A_104 = arith.constant 0 : i32
        %dma_wait3A_105 = tpu.memref_slice %arg8[%mul3A_74, %dma_wait3A_104] : memref<42x128xi32, #tpu.memory_space<vmem>> -> memref<1x128xi32, #tpu.memory_space<vmem>>
        %dma_wait3A_106 = tpu.memref_squeeze %dma_wait3A_105 : memref<1x128xi32, #tpu.memory_space<vmem>> -> memref<128xi32, #tpu.memory_space<vmem>>
        %dma_wait3A_107 = arith.constant 0 : i32
        %dma_wait3A_108 = arith.constant 0 : i32
        %dma_wait3A_109 = tpu.memref_slice %arg11[%dma_wait3A_107, %dma_wait3A_108] : memref<10240x128xf32, #tpu.memory_space<vmem_shared>> -> memref<10240x128xf32, #tpu.memory_space<vmem_shared>>
        tpu.wait_indirect_dma semaphore(%run_scoped3A_97 : memref<!tpu.dma_semaphore, #tpu.memory_space<semaphore_mem>>) src(%arg9 : memref<128x128xf32, #tpu.memory_space<vmem>>) dst(%dma_wait3A_109 : memref<10240x128xf32, #tpu.memory_space<vmem_shared>>)
        tpu.yield
      }) : () -> ()
      %lt3A = arith.constant 20 : i32
      %lt3A_88 = arith.cmpi slt, %scan3A_71, %lt3A : i32
      %convert_element_type3A = arith.extui %lt3A_88 : i1 to i32
      %cond3A = arith.constant 0 : i32
      %cond3A_89 = arith.cmpi ne, %convert_element_type3A, %cond3A : i32
      scf.if %cond3A_89 {
        %add3A_97 = arith.constant 2 : i32
        %add3A_98 = arith.addi %mul3A_74, %add3A_97 : i32
        %dma_start3A_99 = arith.constant 0 : i32
        %dma_start3A_100 = tpu.memref_slice %arg7[%add3A_98, %dma_start3A_99] : memref<42x128xi32, #tpu.memory_space<vmem>> -> memref<1x128xi32, #tpu.memory_space<vmem>>
        %dma_start3A_101 = tpu.memref_squeeze %dma_start3A_100 : memref<1x128xi32, #tpu.memory_space<vmem>> -> memref<128xi32, #tpu.memory_space<vmem>>
        %dma_start3A_102 = arith.constant 0 : i32
        %dma_start3A_103 = arith.constant 0 : i32
        %dma_start3A_104 = tpu.memref_slice %arg2[%dma_start3A_102, %dma_start3A_103] : memref<10240x128xf32, #tpu.memory_space<hbm>> -> memref<10240x128xf32, #tpu.memory_space<hbm>>
        tpu.enqueue_indirect_dma source(%dma_start3A_104 : memref<10240x128xf32, #tpu.memory_space<hbm>>) target(%arg9 : memref<128x128xf32, #tpu.memory_space<vmem>>) offsets(%dma_start3A_101 : memref<128xi32, #tpu.memory_space<vmem>>) semaphore(%arg12 : memref<!tpu.dma_semaphore, #tpu.memory_space<semaphore_mem>>)
      } else {
      }
      %dma_wait3A_90 = arith.constant 0 : i32
      %dma_wait3A_91 = tpu.memref_slice %arg7[%add3A_76, %dma_wait3A_90] : memref<42x128xi32, #tpu.memory_space<vmem>> -> memref<1x128xi32, #tpu.memory_space<vmem>>
      %dma_wait3A_92 = tpu.memref_squeeze %dma_wait3A_91 : memref<1x128xi32, #tpu.memory_space<vmem>> -> memref<128xi32, #tpu.memory_space<vmem>>
      %dma_wait3A_93 = arith.constant 0 : i32
      %dma_wait3A_94 = arith.constant 0 : i32
      %dma_wait3A_95 = tpu.memref_slice %arg2[%dma_wait3A_93, %dma_wait3A_94] : memref<10240x128xf32, #tpu.memory_space<hbm>> -> memref<10240x128xf32, #tpu.memory_space<hbm>>
      tpu.wait_indirect_dma semaphore(%arg13 : memref<!tpu.dma_semaphore, #tpu.memory_space<semaphore_mem>>) src(%dma_wait3A_95 : memref<10240x128xf32, #tpu.memory_space<hbm>>) dst(%arg10 : memref<128x128xf32, #tpu.memory_space<vmem>>)
      "tpu.region"() ({
        %run_scoped3A_97 = tpu.sem_alloc : memref<!tpu.dma_semaphore, #tpu.memory_space<semaphore_mem>>
        %dma_start3A_98 = arith.constant 0 : i32
        %dma_start3A_99 = tpu.memref_slice %arg8[%add3A_76, %dma_start3A_98] : memref<42x128xi32, #tpu.memory_space<vmem>> -> memref<1x128xi32, #tpu.memory_space<vmem>>
        %dma_start3A_100 = tpu.memref_squeeze %dma_start3A_99 : memref<1x128xi32, #tpu.memory_space<vmem>> -> memref<128xi32, #tpu.memory_space<vmem>>
        %dma_start3A_101 = arith.constant 0 : i32
        %dma_start3A_102 = arith.constant 0 : i32
        %dma_start3A_103 = tpu.memref_slice %arg11[%dma_start3A_101, %dma_start3A_102] : memref<10240x128xf32, #tpu.memory_space<vmem_shared>> -> memref<10240x128xf32, #tpu.memory_space<vmem_shared>>
        tpu.enqueue_indirect_dma source(%arg10 : memref<128x128xf32, #tpu.memory_space<vmem>>) target(%dma_start3A_103 : memref<10240x128xf32, #tpu.memory_space<vmem_shared>>) offsets(%dma_start3A_100 : memref<128xi32, #tpu.memory_space<vmem>>) semaphore(%run_scoped3A_97 : memref<!tpu.dma_semaphore, #tpu.memory_space<semaphore_mem>>) {add = true}
        %dma_wait3A_104 = arith.constant 0 : i32
        %dma_wait3A_105 = tpu.memref_slice %arg8[%add3A_76, %dma_wait3A_104] : memref<42x128xi32, #tpu.memory_space<vmem>> -> memref<1x128xi32, #tpu.memory_space<vmem>>
        %dma_wait3A_106 = tpu.memref_squeeze %dma_wait3A_105 : memref<1x128xi32, #tpu.memory_space<vmem>> -> memref<128xi32, #tpu.memory_space<vmem>>
        %dma_wait3A_107 = arith.constant 0 : i32
        %dma_wait3A_108 = arith.constant 0 : i32
        %dma_wait3A_109 = tpu.memref_slice %arg11[%dma_wait3A_107, %dma_wait3A_108] : memref<10240x128xf32, #tpu.memory_space<vmem_shared>> -> memref<10240x128xf32, #tpu.memory_space<vmem_shared>>
        tpu.wait_indirect_dma semaphore(%run_scoped3A_97 : memref<!tpu.dma_semaphore, #tpu.memory_space<semaphore_mem>>) src(%arg10 : memref<128x128xf32, #tpu.memory_space<vmem>>) dst(%dma_wait3A_109 : memref<10240x128xf32, #tpu.memory_space<vmem_shared>>)
        tpu.yield
      }) : () -> ()
      %scan3A_96 = arith.constant 0 : i32
      scf.yield %scan3A_96 : i32
    }
    %scan3A_49 = arith.constant 21 : i32
    %barrier3A_50 = arith.constant 0 : index
    tpu.barrier barrier_id(%barrier3A_50)
    %mul3A_51 = arith.constant 640 : i32
    %mul3A_52 = arith.muli %arg1, %mul3A_51 : i32
    %add3A_53 = arith.constant 0 : i32
    %add3A_54 = arith.addi %mul3A_52, %add3A_53 : i32
    "tpu.region"() ({
      %run_scoped3A_71 = tpu.sem_alloc : memref<!tpu.dma_semaphore, #tpu.memory_space<semaphore_mem>>
      %dma_start3A_72 = arith.constant 0 : i32
      %dma_start3A_73 = tpu.memref_slice %arg11[%add3A_54, %dma_start3A_72] : memref<10240x128xf32, #tpu.memory_space<vmem_shared>> -> memref<128x128xf32, #tpu.memory_space<vmem_shared>>
      %dma_start3A_74 = arith.constant 0 : i32
      %dma_start3A_75 = tpu.memref_slice %arg11[%add3A_54, %dma_start3A_74] : memref<10240x128xf32, #tpu.memory_space<vmem_shared>> -> memref<128x128xf32, #tpu.memory_space<vmem_shared>>
      tpu.enqueue_dma source(%dma_start3A_75 : memref<128x128xf32, #tpu.memory_space<vmem_shared>>) target(%arg9 : memref<128x128xf32, #tpu.memory_space<vmem>>) target_semaphore(%run_scoped3A_71 : memref<!tpu.dma_semaphore, #tpu.memory_space<semaphore_mem>>)
      %dma_wait3A = arith.constant 0 : i32
      %dma_wait3A_76 = tpu.memref_slice %arg11[%add3A_54, %dma_wait3A] : memref<10240x128xf32, #tpu.memory_space<vmem_shared>> -> memref<128x128xf32, #tpu.memory_space<vmem_shared>>
      %dma_wait3A_77 = arith.constant 0 : i32
      %dma_wait3A_78 = tpu.memref_slice %arg11[%add3A_54, %dma_wait3A_77] : memref<10240x128xf32, #tpu.memory_space<vmem_shared>> -> memref<128x128xf32, #tpu.memory_space<vmem_shared>>
      tpu.wait_dma2 semaphore(%run_scoped3A_71 : memref<!tpu.dma_semaphore, #tpu.memory_space<semaphore_mem>>) src(%dma_wait3A_78 : memref<128x128xf32, #tpu.memory_space<vmem_shared>>) dst(%arg9 : memref<128x128xf32, #tpu.memory_space<vmem>>)
      tpu.yield
    }) : () -> ()
    "tpu.region"() ({
      %run_scoped3A_71 = tpu.sem_alloc : memref<!tpu.dma_semaphore, #tpu.memory_space<semaphore_mem>>
      %dma_start3A_72 = arith.constant 0 : i32
      %dma_start3A_73 = tpu.memref_slice %arg6[%arg0, %add3A_54, %dma_start3A_72] : memref<2x10240x128xf32, #tpu.memory_space<hbm>> -> memref<1x128x128xf32, #tpu.memory_space<hbm>>
      %dma_start3A_74 = tpu.memref_squeeze %dma_start3A_73 : memref<1x128x128xf32, #tpu.memory_space<hbm>> -> memref<128x128xf32, #tpu.memory_space<hbm>>
      %dma_start3A_75 = arith.constant 0 : i32
      %dma_start3A_76 = tpu.memref_slice %arg6[%arg0, %add3A_54, %dma_start3A_75] : memref<2x10240x128xf32, #tpu.memory_space<hbm>> -> memref<1x128x128xf32, #tpu.memory_space<hbm>>
      %dma_start3A_77 = tpu.memref_squeeze %dma_start3A_76 : memref<1x128x128xf32, #tpu.memory_space<hbm>> -> memref<128x128xf32, #tpu.memory_space<hbm>>
      tpu.enqueue_dma source(%arg9 : memref<128x128xf32, #tpu.memory_space<vmem>>) target(%dma_start3A_77 : memref<128x128xf32, #tpu.memory_space<hbm>>) target_semaphore(%run_scoped3A_71 : memref<!tpu.dma_semaphore, #tpu.memory_space<semaphore_mem>>)
      %dma_wait3A = arith.constant 0 : i32
      %dma_wait3A_78 = tpu.memref_slice %arg6[%arg0, %add3A_54, %dma_wait3A] : memref<2x10240x128xf32, #tpu.memory_space<hbm>> -> memref<1x128x128xf32, #tpu.memory_space<hbm>>
      %dma_wait3A_79 = tpu.memref_squeeze %dma_wait3A_78 : memref<1x128x128xf32, #tpu.memory_space<hbm>> -> memref<128x128xf32, #tpu.memory_space<hbm>>
      %dma_wait3A_80 = arith.constant 0 : i32
      %dma_wait3A_81 = tpu.memref_slice %arg6[%arg0, %add3A_54, %dma_wait3A_80] : memref<2x10240x128xf32, #tpu.memory_space<hbm>> -> memref<1x128x128xf32, #tpu.memory_space<hbm>>
      %dma_wait3A_82 = tpu.memref_squeeze %dma_wait3A_81 : memref<1x128x128xf32, #tpu.memory_space<hbm>> -> memref<128x128xf32, #tpu.memory_space<hbm>>
      tpu.wait_dma2 semaphore(%run_scoped3A_71 : memref<!tpu.dma_semaphore, #tpu.memory_space<semaphore_mem>>) src(%arg9 : memref<128x128xf32, #tpu.memory_space<vmem>>) dst(%dma_wait3A_82 : memref<128x128xf32, #tpu.memory_space<hbm>>)
      tpu.yield
    }) : () -> ()
    %mul3A_55 = arith.constant 640 : i32
    %mul3A_56 = arith.muli %arg1, %mul3A_55 : i32
    %add3A_57 = arith.constant 128 : i32
    %add3A_58 = arith.addi %mul3A_56, %add3A_57 : i32
    "tpu.region"() ({
      %run_scoped3A_71 = tpu.sem_alloc : memref<!tpu.dma_semaphore, #tpu.memory_space<semaphore_mem>>
      %dma_start3A_72 = arith.constant 0 : i32
      %dma_start3A_73 = tpu.memref_slice %arg11[%add3A_58, %dma_start3A_72] : memref<10240x128xf32, #tpu.memory_space<vmem_shared>> -> memref<128x128xf32, #tpu.memory_space<vmem_shared>>
      %dma_start3A_74 = arith.constant 0 : i32
      %dma_start3A_75 = tpu.memref_slice %arg11[%add3A_58, %dma_start3A_74] : memref<10240x128xf32, #tpu.memory_space<vmem_shared>> -> memref<128x128xf32, #tpu.memory_space<vmem_shared>>
      tpu.enqueue_dma source(%dma_start3A_75 : memref<128x128xf32, #tpu.memory_space<vmem_shared>>) target(%arg9 : memref<128x128xf32, #tpu.memory_space<vmem>>) target_semaphore(%run_scoped3A_71 : memref<!tpu.dma_semaphore, #tpu.memory_space<semaphore_mem>>)
      %dma_wait3A = arith.constant 0 : i32
      %dma_wait3A_76 = tpu.memref_slice %arg11[%add3A_58, %dma_wait3A] : memref<10240x128xf32, #tpu.memory_space<vmem_shared>> -> memref<128x128xf32, #tpu.memory_space<vmem_shared>>
      %dma_wait3A_77 = arith.constant 0 : i32
      %dma_wait3A_78 = tpu.memref_slice %arg11[%add3A_58, %dma_wait3A_77] : memref<10240x128xf32, #tpu.memory_space<vmem_shared>> -> memref<128x128xf32, #tpu.memory_space<vmem_shared>>
      tpu.wait_dma2 semaphore(%run_scoped3A_71 : memref<!tpu.dma_semaphore, #tpu.memory_space<semaphore_mem>>) src(%dma_wait3A_78 : memref<128x128xf32, #tpu.memory_space<vmem_shared>>) dst(%arg9 : memref<128x128xf32, #tpu.memory_space<vmem>>)
      tpu.yield
    }) : () -> ()
    "tpu.region"() ({
      %run_scoped3A_71 = tpu.sem_alloc : memref<!tpu.dma_semaphore, #tpu.memory_space<semaphore_mem>>
      %dma_start3A_72 = arith.constant 0 : i32
      %dma_start3A_73 = tpu.memref_slice %arg6[%arg0, %add3A_58, %dma_start3A_72] : memref<2x10240x128xf32, #tpu.memory_space<hbm>> -> memref<1x128x128xf32, #tpu.memory_space<hbm>>
      %dma_start3A_74 = tpu.memref_squeeze %dma_start3A_73 : memref<1x128x128xf32, #tpu.memory_space<hbm>> -> memref<128x128xf32, #tpu.memory_space<hbm>>
      %dma_start3A_75 = arith.constant 0 : i32
      %dma_start3A_76 = tpu.memref_slice %arg6[%arg0, %add3A_58, %dma_start3A_75] : memref<2x10240x128xf32, #tpu.memory_space<hbm>> -> memref<1x128x128xf32, #tpu.memory_space<hbm>>
      %dma_start3A_77 = tpu.memref_squeeze %dma_start3A_76 : memref<1x128x128xf32, #tpu.memory_space<hbm>> -> memref<128x128xf32, #tpu.memory_space<hbm>>
      tpu.enqueue_dma source(%arg9 : memref<128x128xf32, #tpu.memory_space<vmem>>) target(%dma_start3A_77 : memref<128x128xf32, #tpu.memory_space<hbm>>) target_semaphore(%run_scoped3A_71 : memref<!tpu.dma_semaphore, #tpu.memory_space<semaphore_mem>>)
      %dma_wait3A = arith.constant 0 : i32
      %dma_wait3A_78 = tpu.memref_slice %arg6[%arg0, %add3A_58, %dma_wait3A] : memref<2x10240x128xf32, #tpu.memory_space<hbm>> -> memref<1x128x128xf32, #tpu.memory_space<hbm>>
      %dma_wait3A_79 = tpu.memref_squeeze %dma_wait3A_78 : memref<1x128x128xf32, #tpu.memory_space<hbm>> -> memref<128x128xf32, #tpu.memory_space<hbm>>
      %dma_wait3A_80 = arith.constant 0 : i32
      %dma_wait3A_81 = tpu.memref_slice %arg6[%arg0, %add3A_58, %dma_wait3A_80] : memref<2x10240x128xf32, #tpu.memory_space<hbm>> -> memref<1x128x128xf32, #tpu.memory_space<hbm>>
      %dma_wait3A_82 = tpu.memref_squeeze %dma_wait3A_81 : memref<1x128x128xf32, #tpu.memory_space<hbm>> -> memref<128x128xf32, #tpu.memory_space<hbm>>
      tpu.wait_dma2 semaphore(%run_scoped3A_71 : memref<!tpu.dma_semaphore, #tpu.memory_space<semaphore_mem>>) src(%arg9 : memref<128x128xf32, #tpu.memory_space<vmem>>) dst(%dma_wait3A_82 : memref<128x128xf32, #tpu.memory_space<hbm>>)
      tpu.yield
    }) : () -> ()
    %mul3A_59 = arith.constant 640 : i32
    %mul3A_60 = arith.muli %arg1, %mul3A_59 : i32
    %add3A_61 = arith.constant 256 : i32
    %add3A_62 = arith.addi %mul3A_60, %add3A_61 : i32
    "tpu.region"() ({
      %run_scoped3A_71 = tpu.sem_alloc : memref<!tpu.dma_semaphore, #tpu.memory_space<semaphore_mem>>
      %dma_start3A_72 = arith.constant 0 : i32
      %dma_start3A_73 = tpu.memref_slice %arg11[%add3A_62, %dma_start3A_72] : memref<10240x128xf32, #tpu.memory_space<vmem_shared>> -> memref<128x128xf32, #tpu.memory_space<vmem_shared>>
      %dma_start3A_74 = arith.constant 0 : i32
      %dma_start3A_75 = tpu.memref_slice %arg11[%add3A_62, %dma_start3A_74] : memref<10240x128xf32, #tpu.memory_space<vmem_shared>> -> memref<128x128xf32, #tpu.memory_space<vmem_shared>>
      tpu.enqueue_dma source(%dma_start3A_75 : memref<128x128xf32, #tpu.memory_space<vmem_shared>>) target(%arg9 : memref<128x128xf32, #tpu.memory_space<vmem>>) target_semaphore(%run_scoped3A_71 : memref<!tpu.dma_semaphore, #tpu.memory_space<semaphore_mem>>)
      %dma_wait3A = arith.constant 0 : i32
      %dma_wait3A_76 = tpu.memref_slice %arg11[%add3A_62, %dma_wait3A] : memref<10240x128xf32, #tpu.memory_space<vmem_shared>> -> memref<128x128xf32, #tpu.memory_space<vmem_shared>>
      %dma_wait3A_77 = arith.constant 0 : i32
      %dma_wait3A_78 = tpu.memref_slice %arg11[%add3A_62, %dma_wait3A_77] : memref<10240x128xf32, #tpu.memory_space<vmem_shared>> -> memref<128x128xf32, #tpu.memory_space<vmem_shared>>
      tpu.wait_dma2 semaphore(%run_scoped3A_71 : memref<!tpu.dma_semaphore, #tpu.memory_space<semaphore_mem>>) src(%dma_wait3A_78 : memref<128x128xf32, #tpu.memory_space<vmem_shared>>) dst(%arg9 : memref<128x128xf32, #tpu.memory_space<vmem>>)
      tpu.yield
    }) : () -> ()
    "tpu.region"() ({
      %run_scoped3A_71 = tpu.sem_alloc : memref<!tpu.dma_semaphore, #tpu.memory_space<semaphore_mem>>
      %dma_start3A_72 = arith.constant 0 : i32
      %dma_start3A_73 = tpu.memref_slice %arg6[%arg0, %add3A_62, %dma_start3A_72] : memref<2x10240x128xf32, #tpu.memory_space<hbm>> -> memref<1x128x128xf32, #tpu.memory_space<hbm>>
      %dma_start3A_74 = tpu.memref_squeeze %dma_start3A_73 : memref<1x128x128xf32, #tpu.memory_space<hbm>> -> memref<128x128xf32, #tpu.memory_space<hbm>>
      %dma_start3A_75 = arith.constant 0 : i32
      %dma_start3A_76 = tpu.memref_slice %arg6[%arg0, %add3A_62, %dma_start3A_75] : memref<2x10240x128xf32, #tpu.memory_space<hbm>> -> memref<1x128x128xf32, #tpu.memory_space<hbm>>
      %dma_start3A_77 = tpu.memref_squeeze %dma_start3A_76 : memref<1x128x128xf32, #tpu.memory_space<hbm>> -> memref<128x128xf32, #tpu.memory_space<hbm>>
      tpu.enqueue_dma source(%arg9 : memref<128x128xf32, #tpu.memory_space<vmem>>) target(%dma_start3A_77 : memref<128x128xf32, #tpu.memory_space<hbm>>) target_semaphore(%run_scoped3A_71 : memref<!tpu.dma_semaphore, #tpu.memory_space<semaphore_mem>>)
      %dma_wait3A = arith.constant 0 : i32
      %dma_wait3A_78 = tpu.memref_slice %arg6[%arg0, %add3A_62, %dma_wait3A] : memref<2x10240x128xf32, #tpu.memory_space<hbm>> -> memref<1x128x128xf32, #tpu.memory_space<hbm>>
      %dma_wait3A_79 = tpu.memref_squeeze %dma_wait3A_78 : memref<1x128x128xf32, #tpu.memory_space<hbm>> -> memref<128x128xf32, #tpu.memory_space<hbm>>
      %dma_wait3A_80 = arith.constant 0 : i32
      %dma_wait3A_81 = tpu.memref_slice %arg6[%arg0, %add3A_62, %dma_wait3A_80] : memref<2x10240x128xf32, #tpu.memory_space<hbm>> -> memref<1x128x128xf32, #tpu.memory_space<hbm>>
      %dma_wait3A_82 = tpu.memref_squeeze %dma_wait3A_81 : memref<1x128x128xf32, #tpu.memory_space<hbm>> -> memref<128x128xf32, #tpu.memory_space<hbm>>
      tpu.wait_dma2 semaphore(%run_scoped3A_71 : memref<!tpu.dma_semaphore, #tpu.memory_space<semaphore_mem>>) src(%arg9 : memref<128x128xf32, #tpu.memory_space<vmem>>) dst(%dma_wait3A_82 : memref<128x128xf32, #tpu.memory_space<hbm>>)
      tpu.yield
    }) : () -> ()
    %mul3A_63 = arith.constant 640 : i32
    %mul3A_64 = arith.muli %arg1, %mul3A_63 : i32
    %add3A_65 = arith.constant 384 : i32
    %add3A_66 = arith.addi %mul3A_64, %add3A_65 : i32
    "tpu.region"() ({
      %run_scoped3A_71 = tpu.sem_alloc : memref<!tpu.dma_semaphore, #tpu.memory_space<semaphore_mem>>
      %dma_start3A_72 = arith.constant 0 : i32
      %dma_start3A_73 = tpu.memref_slice %arg11[%add3A_66, %dma_start3A_72] : memref<10240x128xf32, #tpu.memory_space<vmem_shared>> -> memref<128x128xf32, #tpu.memory_space<vmem_shared>>
      %dma_start3A_74 = arith.constant 0 : i32
      %dma_start3A_75 = tpu.memref_slice %arg11[%add3A_66, %dma_start3A_74] : memref<10240x128xf32, #tpu.memory_space<vmem_shared>> -> memref<128x128xf32, #tpu.memory_space<vmem_shared>>
      tpu.enqueue_dma source(%dma_start3A_75 : memref<128x128xf32, #tpu.memory_space<vmem_shared>>) target(%arg9 : memref<128x128xf32, #tpu.memory_space<vmem>>) target_semaphore(%run_scoped3A_71 : memref<!tpu.dma_semaphore, #tpu.memory_space<semaphore_mem>>)
      %dma_wait3A = arith.constant 0 : i32
      %dma_wait3A_76 = tpu.memref_slice %arg11[%add3A_66, %dma_wait3A] : memref<10240x128xf32, #tpu.memory_space<vmem_shared>> -> memref<128x128xf32, #tpu.memory_space<vmem_shared>>
      %dma_wait3A_77 = arith.constant 0 : i32
      %dma_wait3A_78 = tpu.memref_slice %arg11[%add3A_66, %dma_wait3A_77] : memref<10240x128xf32, #tpu.memory_space<vmem_shared>> -> memref<128x128xf32, #tpu.memory_space<vmem_shared>>
      tpu.wait_dma2 semaphore(%run_scoped3A_71 : memref<!tpu.dma_semaphore, #tpu.memory_space<semaphore_mem>>) src(%dma_wait3A_78 : memref<128x128xf32, #tpu.memory_space<vmem_shared>>) dst(%arg9 : memref<128x128xf32, #tpu.memory_space<vmem>>)
      tpu.yield
    }) : () -> ()
    "tpu.region"() ({
      %run_scoped3A_71 = tpu.sem_alloc : memref<!tpu.dma_semaphore, #tpu.memory_space<semaphore_mem>>
      %dma_start3A_72 = arith.constant 0 : i32
      %dma_start3A_73 = tpu.memref_slice %arg6[%arg0, %add3A_66, %dma_start3A_72] : memref<2x10240x128xf32, #tpu.memory_space<hbm>> -> memref<1x128x128xf32, #tpu.memory_space<hbm>>
      %dma_start3A_74 = tpu.memref_squeeze %dma_start3A_73 : memref<1x128x128xf32, #tpu.memory_space<hbm>> -> memref<128x128xf32, #tpu.memory_space<hbm>>
      %dma_start3A_75 = arith.constant 0 : i32
      %dma_start3A_76 = tpu.memref_slice %arg6[%arg0, %add3A_66, %dma_start3A_75] : memref<2x10240x128xf32, #tpu.memory_space<hbm>> -> memref<1x128x128xf32, #tpu.memory_space<hbm>>
      %dma_start3A_77 = tpu.memref_squeeze %dma_start3A_76 : memref<1x128x128xf32, #tpu.memory_space<hbm>> -> memref<128x128xf32, #tpu.memory_space<hbm>>
      tpu.enqueue_dma source(%arg9 : memref<128x128xf32, #tpu.memory_space<vmem>>) target(%dma_start3A_77 : memref<128x128xf32, #tpu.memory_space<hbm>>) target_semaphore(%run_scoped3A_71 : memref<!tpu.dma_semaphore, #tpu.memory_space<semaphore_mem>>)
      %dma_wait3A = arith.constant 0 : i32
      %dma_wait3A_78 = tpu.memref_slice %arg6[%arg0, %add3A_66, %dma_wait3A] : memref<2x10240x128xf32, #tpu.memory_space<hbm>> -> memref<1x128x128xf32, #tpu.memory_space<hbm>>
      %dma_wait3A_79 = tpu.memref_squeeze %dma_wait3A_78 : memref<1x128x128xf32, #tpu.memory_space<hbm>> -> memref<128x128xf32, #tpu.memory_space<hbm>>
      %dma_wait3A_80 = arith.constant 0 : i32
      %dma_wait3A_81 = tpu.memref_slice %arg6[%arg0, %add3A_66, %dma_wait3A_80] : memref<2x10240x128xf32, #tpu.memory_space<hbm>> -> memref<1x128x128xf32, #tpu.memory_space<hbm>>
      %dma_wait3A_82 = tpu.memref_squeeze %dma_wait3A_81 : memref<1x128x128xf32, #tpu.memory_space<hbm>> -> memref<128x128xf32, #tpu.memory_space<hbm>>
      tpu.wait_dma2 semaphore(%run_scoped3A_71 : memref<!tpu.dma_semaphore, #tpu.memory_space<semaphore_mem>>) src(%arg9 : memref<128x128xf32, #tpu.memory_space<vmem>>) dst(%dma_wait3A_82 : memref<128x128xf32, #tpu.memory_space<hbm>>)
      tpu.yield
    }) : () -> ()
    %mul3A_67 = arith.constant 640 : i32
    %mul3A_68 = arith.muli %arg1, %mul3A_67 : i32
    %add3A_69 = arith.constant 512 : i32
    %add3A_70 = arith.addi %mul3A_68, %add3A_69 : i32
    "tpu.region"() ({
      %run_scoped3A_71 = tpu.sem_alloc : memref<!tpu.dma_semaphore, #tpu.memory_space<semaphore_mem>>
      %dma_start3A_72 = arith.constant 0 : i32
      %dma_start3A_73 = tpu.memref_slice %arg11[%add3A_70, %dma_start3A_72] : memref<10240x128xf32, #tpu.memory_space<vmem_shared>> -> memref<128x128xf32, #tpu.memory_space<vmem_shared>>
      %dma_start3A_74 = arith.constant 0 : i32
      %dma_start3A_75 = tpu.memref_slice %arg11[%add3A_70, %dma_start3A_74] : memref<10240x128xf32, #tpu.memory_space<vmem_shared>> -> memref<128x128xf32, #tpu.memory_space<vmem_shared>>
      tpu.enqueue_dma source(%dma_start3A_75 : memref<128x128xf32, #tpu.memory_space<vmem_shared>>) target(%arg9 : memref<128x128xf32, #tpu.memory_space<vmem>>) target_semaphore(%run_scoped3A_71 : memref<!tpu.dma_semaphore, #tpu.memory_space<semaphore_mem>>)
      %dma_wait3A = arith.constant 0 : i32
      %dma_wait3A_76 = tpu.memref_slice %arg11[%add3A_70, %dma_wait3A] : memref<10240x128xf32, #tpu.memory_space<vmem_shared>> -> memref<128x128xf32, #tpu.memory_space<vmem_shared>>
      %dma_wait3A_77 = arith.constant 0 : i32
      %dma_wait3A_78 = tpu.memref_slice %arg11[%add3A_70, %dma_wait3A_77] : memref<10240x128xf32, #tpu.memory_space<vmem_shared>> -> memref<128x128xf32, #tpu.memory_space<vmem_shared>>
      tpu.wait_dma2 semaphore(%run_scoped3A_71 : memref<!tpu.dma_semaphore, #tpu.memory_space<semaphore_mem>>) src(%dma_wait3A_78 : memref<128x128xf32, #tpu.memory_space<vmem_shared>>) dst(%arg9 : memref<128x128xf32, #tpu.memory_space<vmem>>)
      tpu.yield
    }) : () -> ()
    "tpu.region"() ({
      %run_scoped3A_71 = tpu.sem_alloc : memref<!tpu.dma_semaphore, #tpu.memory_space<semaphore_mem>>
      %dma_start3A_72 = arith.constant 0 : i32
      %dma_start3A_73 = tpu.memref_slice %arg6[%arg0, %add3A_70, %dma_start3A_72] : memref<2x10240x128xf32, #tpu.memory_space<hbm>> -> memref<1x128x128xf32, #tpu.memory_space<hbm>>
      %dma_start3A_74 = tpu.memref_squeeze %dma_start3A_73 : memref<1x128x128xf32, #tpu.memory_space<hbm>> -> memref<128x128xf32, #tpu.memory_space<hbm>>
      %dma_start3A_75 = arith.constant 0 : i32
      %dma_start3A_76 = tpu.memref_slice %arg6[%arg0, %add3A_70, %dma_start3A_75] : memref<2x10240x128xf32, #tpu.memory_space<hbm>> -> memref<1x128x128xf32, #tpu.memory_space<hbm>>
      %dma_start3A_77 = tpu.memref_squeeze %dma_start3A_76 : memref<1x128x128xf32, #tpu.memory_space<hbm>> -> memref<128x128xf32, #tpu.memory_space<hbm>>
      tpu.enqueue_dma source(%arg9 : memref<128x128xf32, #tpu.memory_space<vmem>>) target(%dma_start3A_77 : memref<128x128xf32, #tpu.memory_space<hbm>>) target_semaphore(%run_scoped3A_71 : memref<!tpu.dma_semaphore, #tpu.memory_space<semaphore_mem>>)
      %dma_wait3A = arith.constant 0 : i32
      %dma_wait3A_78 = tpu.memref_slice %arg6[%arg0, %add3A_70, %dma_wait3A] : memref<2x10240x128xf32, #tpu.memory_space<hbm>> -> memref<1x128x128xf32, #tpu.memory_space<hbm>>
      %dma_wait3A_79 = tpu.memref_squeeze %dma_wait3A_78 : memref<1x128x128xf32, #tpu.memory_space<hbm>> -> memref<128x128xf32, #tpu.memory_space<hbm>>
      %dma_wait3A_80 = arith.constant 0 : i32
      %dma_wait3A_81 = tpu.memref_slice %arg6[%arg0, %add3A_70, %dma_wait3A_80] : memref<2x10240x128xf32, #tpu.memory_space<hbm>> -> memref<1x128x128xf32, #tpu.memory_space<hbm>>
      %dma_wait3A_82 = tpu.memref_squeeze %dma_wait3A_81 : memref<1x128x128xf32, #tpu.memory_space<hbm>> -> memref<128x128xf32, #tpu.memory_space<hbm>>
      tpu.wait_dma2 semaphore(%run_scoped3A_71 : memref<!tpu.dma_semaphore, #tpu.memory_space<semaphore_mem>>) src(%arg9 : memref<128x128xf32, #tpu.memory_space<vmem>>) dst(%dma_wait3A_82 : memref<128x128xf32, #tpu.memory_space<hbm>>)
      tpu.yield
    }) : () -> ()
    return
  }
}

#map = affine_map<(d0, d1) -> (0, 0, 0)>
#map1 = affine_map<(d0, d1) -> (0, 0)>
module attributes {stable_mosaic.version = 14 : i64} {
  func.func @_deg_sc(%arg0: i32, %arg1: i32, %arg2: memref<32x84x128xi32, #tpu.memory_space<hbm>>, %arg3: memref<256x128xf32, #tpu.memory_space<hbm>>, %arg4: memref<2x10240x128xf32, #tpu.memory_space<hbm>>, %arg5: memref<84x128xi32, #tpu.memory_space<vmem>>, %arg6: memref<128x128xf32, #tpu.memory_space<vmem>>, %arg7: memref<128x128xf32, #tpu.memory_space<vmem>>, %arg8: memref<10240x128xf32, #tpu.memory_space<vmem_shared>>) attributes {dimension_semantics = [#tpu.dimension_semantics<core_parallel>, #tpu.dimension_semantics<subcore_parallel>], iteration_bounds = array<i64: 2, 16>, scalar_prefetch = 0 : i64, scratch_operands = 4 : i64, tpu.core_type = #tpu.core_type<sc_vector_subcore>, window_params = [{transform_indices = #map}, {transform_indices = #map1}, {transform_indices = #map}]} {
    %mul3A = arith.constant 2 : i32
    %mul3A_0 = arith.muli %arg1, %mul3A : i32
    %add3A = arith.addi %mul3A_0, %arg0 : i32
    "tpu.region"() ({
      %run_scoped3A = tpu.sem_alloc : memref<!tpu.dma_semaphore, #tpu.memory_space<semaphore_mem>>
      %dma_start3A = arith.constant 0 : i32
      %dma_start3A_48 = arith.constant 0 : i32
      %dma_start3A_49 = tpu.memref_slice %arg2[%add3A, %dma_start3A, %dma_start3A_48] : memref<32x84x128xi32, #tpu.memory_space<hbm>> -> memref<1x84x128xi32, #tpu.memory_space<hbm>>
      %dma_start3A_50 = tpu.memref_squeeze %dma_start3A_49 : memref<1x84x128xi32, #tpu.memory_space<hbm>> -> memref<84x128xi32, #tpu.memory_space<hbm>>
      %dma_start3A_51 = arith.constant 0 : i32
      %dma_start3A_52 = arith.constant 0 : i32
      %dma_start3A_53 = tpu.memref_slice %arg2[%add3A, %dma_start3A_51, %dma_start3A_52] : memref<32x84x128xi32, #tpu.memory_space<hbm>> -> memref<1x84x128xi32, #tpu.memory_space<hbm>>
      %dma_start3A_54 = tpu.memref_squeeze %dma_start3A_53 : memref<1x84x128xi32, #tpu.memory_space<hbm>> -> memref<84x128xi32, #tpu.memory_space<hbm>>
      tpu.enqueue_dma source(%dma_start3A_54 : memref<84x128xi32, #tpu.memory_space<hbm>>) target(%arg5 : memref<84x128xi32, #tpu.memory_space<vmem>>) target_semaphore(%run_scoped3A : memref<!tpu.dma_semaphore, #tpu.memory_space<semaphore_mem>>)
      %dma_wait3A = arith.constant 0 : i32
      %dma_wait3A_55 = arith.constant 0 : i32
      %dma_wait3A_56 = tpu.memref_slice %arg2[%add3A, %dma_wait3A, %dma_wait3A_55] : memref<32x84x128xi32, #tpu.memory_space<hbm>> -> memref<1x84x128xi32, #tpu.memory_space<hbm>>
      %dma_wait3A_57 = tpu.memref_squeeze %dma_wait3A_56 : memref<1x84x128xi32, #tpu.memory_space<hbm>> -> memref<84x128xi32, #tpu.memory_space<hbm>>
      %dma_wait3A_58 = arith.constant 0 : i32
      %dma_wait3A_59 = arith.constant 0 : i32
      %dma_wait3A_60 = tpu.memref_slice %arg2[%add3A, %dma_wait3A_58, %dma_wait3A_59] : memref<32x84x128xi32, #tpu.memory_space<hbm>> -> memref<1x84x128xi32, #tpu.memory_space<hbm>>
      %dma_wait3A_61 = tpu.memref_squeeze %dma_wait3A_60 : memref<1x84x128xi32, #tpu.memory_space<hbm>> -> memref<84x128xi32, #tpu.memory_space<hbm>>
      tpu.wait_dma2 semaphore(%run_scoped3A : memref<!tpu.dma_semaphore, #tpu.memory_space<semaphore_mem>>) src(%dma_wait3A_61 : memref<84x128xi32, #tpu.memory_space<hbm>>) dst(%arg5 : memref<84x128xi32, #tpu.memory_space<vmem>>)
      tpu.yield
    }) : () -> ()
    "tpu.region"() ({
      %run_scoped3A = tpu.sem_alloc : memref<!tpu.dma_semaphore, #tpu.memory_space<semaphore_mem>>
      %dma_start3A = arith.constant 0 : i32
      %dma_start3A_48 = arith.constant 0 : i32
      %dma_start3A_49 = tpu.memref_slice %arg3[%dma_start3A, %dma_start3A_48] : memref<256x128xf32, #tpu.memory_space<hbm>> -> memref<128x128xf32, #tpu.memory_space<hbm>>
      %dma_start3A_50 = arith.constant 0 : i32
      %dma_start3A_51 = arith.constant 0 : i32
      %dma_start3A_52 = tpu.memref_slice %arg3[%dma_start3A_50, %dma_start3A_51] : memref<256x128xf32, #tpu.memory_space<hbm>> -> memref<128x128xf32, #tpu.memory_space<hbm>>
      tpu.enqueue_dma source(%dma_start3A_52 : memref<128x128xf32, #tpu.memory_space<hbm>>) target(%arg6 : memref<128x128xf32, #tpu.memory_space<vmem>>) target_semaphore(%run_scoped3A : memref<!tpu.dma_semaphore, #tpu.memory_space<semaphore_mem>>)
      %dma_wait3A = arith.constant 0 : i32
      %dma_wait3A_53 = arith.constant 0 : i32
      %dma_wait3A_54 = tpu.memref_slice %arg3[%dma_wait3A, %dma_wait3A_53] : memref<256x128xf32, #tpu.memory_space<hbm>> -> memref<128x128xf32, #tpu.memory_space<hbm>>
      %dma_wait3A_55 = arith.constant 0 : i32
      %dma_wait3A_56 = arith.constant 0 : i32
      %dma_wait3A_57 = tpu.memref_slice %arg3[%dma_wait3A_55, %dma_wait3A_56] : memref<256x128xf32, #tpu.memory_space<hbm>> -> memref<128x128xf32, #tpu.memory_space<hbm>>
      tpu.wait_dma2 semaphore(%run_scoped3A : memref<!tpu.dma_semaphore, #tpu.memory_space<semaphore_mem>>) src(%dma_wait3A_57 : memref<128x128xf32, #tpu.memory_space<hbm>>) dst(%arg6 : memref<128x128xf32, #tpu.memory_space<vmem>>)
      tpu.yield
    }) : () -> ()
    "tpu.region"() ({
      %run_scoped3A = tpu.sem_alloc : memref<!tpu.dma_semaphore, #tpu.memory_space<semaphore_mem>>
      %dma_start3A = arith.constant 128 : i32
      %dma_start3A_48 = arith.constant 0 : i32
      %dma_start3A_49 = tpu.memref_slice %arg3[%dma_start3A, %dma_start3A_48] : memref<256x128xf32, #tpu.memory_space<hbm>> -> memref<128x128xf32, #tpu.memory_space<hbm>>
      %dma_start3A_50 = arith.constant 128 : i32
      %dma_start3A_51 = arith.constant 0 : i32
      %dma_start3A_52 = tpu.memref_slice %arg3[%dma_start3A_50, %dma_start3A_51] : memref<256x128xf32, #tpu.memory_space<hbm>> -> memref<128x128xf32, #tpu.memory_space<hbm>>
      tpu.enqueue_dma source(%dma_start3A_52 : memref<128x128xf32, #tpu.memory_space<hbm>>) target(%arg7 : memref<128x128xf32, #tpu.memory_space<vmem>>) target_semaphore(%run_scoped3A : memref<!tpu.dma_semaphore, #tpu.memory_space<semaphore_mem>>)
      %dma_wait3A = arith.constant 128 : i32
      %dma_wait3A_53 = arith.constant 0 : i32
      %dma_wait3A_54 = tpu.memref_slice %arg3[%dma_wait3A, %dma_wait3A_53] : memref<256x128xf32, #tpu.memory_space<hbm>> -> memref<128x128xf32, #tpu.memory_space<hbm>>
      %dma_wait3A_55 = arith.constant 128 : i32
      %dma_wait3A_56 = arith.constant 0 : i32
      %dma_wait3A_57 = tpu.memref_slice %arg3[%dma_wait3A_55, %dma_wait3A_56] : memref<256x128xf32, #tpu.memory_space<hbm>> -> memref<128x128xf32, #tpu.memory_space<hbm>>
      tpu.wait_dma2 semaphore(%run_scoped3A : memref<!tpu.dma_semaphore, #tpu.memory_space<semaphore_mem>>) src(%dma_wait3A_57 : memref<128x128xf32, #tpu.memory_space<hbm>>) dst(%arg7 : memref<128x128xf32, #tpu.memory_space<vmem>>)
      tpu.yield
    }) : () -> ()
    %mul3A_1 = arith.constant 640 : i32
    %mul3A_2 = arith.muli %arg1, %mul3A_1 : i32
    %add3A_3 = arith.constant 0 : i32
    %add3A_4 = arith.addi %mul3A_2, %add3A_3 : i32
    "tpu.region"() ({
      %run_scoped3A = tpu.sem_alloc : memref<!tpu.dma_semaphore, #tpu.memory_space<semaphore_mem>>
      %dma_start3A = arith.constant 0 : i32
      %dma_start3A_48 = tpu.memref_slice %arg8[%add3A_4, %dma_start3A] : memref<10240x128xf32, #tpu.memory_space<vmem_shared>> -> memref<128x128xf32, #tpu.memory_space<vmem_shared>>
      %dma_start3A_49 = arith.constant 0 : i32
      %dma_start3A_50 = tpu.memref_slice %arg8[%add3A_4, %dma_start3A_49] : memref<10240x128xf32, #tpu.memory_space<vmem_shared>> -> memref<128x128xf32, #tpu.memory_space<vmem_shared>>
      tpu.enqueue_dma source(%arg7 : memref<128x128xf32, #tpu.memory_space<vmem>>) target(%dma_start3A_50 : memref<128x128xf32, #tpu.memory_space<vmem_shared>>) target_semaphore(%run_scoped3A : memref<!tpu.dma_semaphore, #tpu.memory_space<semaphore_mem>>)
      %dma_wait3A = arith.constant 0 : i32
      %dma_wait3A_51 = tpu.memref_slice %arg8[%add3A_4, %dma_wait3A] : memref<10240x128xf32, #tpu.memory_space<vmem_shared>> -> memref<128x128xf32, #tpu.memory_space<vmem_shared>>
      %dma_wait3A_52 = arith.constant 0 : i32
      %dma_wait3A_53 = tpu.memref_slice %arg8[%add3A_4, %dma_wait3A_52] : memref<10240x128xf32, #tpu.memory_space<vmem_shared>> -> memref<128x128xf32, #tpu.memory_space<vmem_shared>>
      tpu.wait_dma2 semaphore(%run_scoped3A : memref<!tpu.dma_semaphore, #tpu.memory_space<semaphore_mem>>) src(%arg7 : memref<128x128xf32, #tpu.memory_space<vmem>>) dst(%dma_wait3A_53 : memref<128x128xf32, #tpu.memory_space<vmem_shared>>)
      tpu.yield
    }) : () -> ()
    %mul3A_5 = arith.constant 640 : i32
    %mul3A_6 = arith.muli %arg1, %mul3A_5 : i32
    %add3A_7 = arith.constant 128 : i32
    %add3A_8 = arith.addi %mul3A_6, %add3A_7 : i32
    "tpu.region"() ({
      %run_scoped3A = tpu.sem_alloc : memref<!tpu.dma_semaphore, #tpu.memory_space<semaphore_mem>>
      %dma_start3A = arith.constant 0 : i32
      %dma_start3A_48 = tpu.memref_slice %arg8[%add3A_8, %dma_start3A] : memref<10240x128xf32, #tpu.memory_space<vmem_shared>> -> memref<128x128xf32, #tpu.memory_space<vmem_shared>>
      %dma_start3A_49 = arith.constant 0 : i32
      %dma_start3A_50 = tpu.memref_slice %arg8[%add3A_8, %dma_start3A_49] : memref<10240x128xf32, #tpu.memory_space<vmem_shared>> -> memref<128x128xf32, #tpu.memory_space<vmem_shared>>
      tpu.enqueue_dma source(%arg7 : memref<128x128xf32, #tpu.memory_space<vmem>>) target(%dma_start3A_50 : memref<128x128xf32, #tpu.memory_space<vmem_shared>>) target_semaphore(%run_scoped3A : memref<!tpu.dma_semaphore, #tpu.memory_space<semaphore_mem>>)
      %dma_wait3A = arith.constant 0 : i32
      %dma_wait3A_51 = tpu.memref_slice %arg8[%add3A_8, %dma_wait3A] : memref<10240x128xf32, #tpu.memory_space<vmem_shared>> -> memref<128x128xf32, #tpu.memory_space<vmem_shared>>
      %dma_wait3A_52 = arith.constant 0 : i32
      %dma_wait3A_53 = tpu.memref_slice %arg8[%add3A_8, %dma_wait3A_52] : memref<10240x128xf32, #tpu.memory_space<vmem_shared>> -> memref<128x128xf32, #tpu.memory_space<vmem_shared>>
      tpu.wait_dma2 semaphore(%run_scoped3A : memref<!tpu.dma_semaphore, #tpu.memory_space<semaphore_mem>>) src(%arg7 : memref<128x128xf32, #tpu.memory_space<vmem>>) dst(%dma_wait3A_53 : memref<128x128xf32, #tpu.memory_space<vmem_shared>>)
      tpu.yield
    }) : () -> ()
    %mul3A_9 = arith.constant 640 : i32
    %mul3A_10 = arith.muli %arg1, %mul3A_9 : i32
    %add3A_11 = arith.constant 256 : i32
    %add3A_12 = arith.addi %mul3A_10, %add3A_11 : i32
    "tpu.region"() ({
      %run_scoped3A = tpu.sem_alloc : memref<!tpu.dma_semaphore, #tpu.memory_space<semaphore_mem>>
      %dma_start3A = arith.constant 0 : i32
      %dma_start3A_48 = tpu.memref_slice %arg8[%add3A_12, %dma_start3A] : memref<10240x128xf32, #tpu.memory_space<vmem_shared>> -> memref<128x128xf32, #tpu.memory_space<vmem_shared>>
      %dma_start3A_49 = arith.constant 0 : i32
      %dma_start3A_50 = tpu.memref_slice %arg8[%add3A_12, %dma_start3A_49] : memref<10240x128xf32, #tpu.memory_space<vmem_shared>> -> memref<128x128xf32, #tpu.memory_space<vmem_shared>>
      tpu.enqueue_dma source(%arg7 : memref<128x128xf32, #tpu.memory_space<vmem>>) target(%dma_start3A_50 : memref<128x128xf32, #tpu.memory_space<vmem_shared>>) target_semaphore(%run_scoped3A : memref<!tpu.dma_semaphore, #tpu.memory_space<semaphore_mem>>)
      %dma_wait3A = arith.constant 0 : i32
      %dma_wait3A_51 = tpu.memref_slice %arg8[%add3A_12, %dma_wait3A] : memref<10240x128xf32, #tpu.memory_space<vmem_shared>> -> memref<128x128xf32, #tpu.memory_space<vmem_shared>>
      %dma_wait3A_52 = arith.constant 0 : i32
      %dma_wait3A_53 = tpu.memref_slice %arg8[%add3A_12, %dma_wait3A_52] : memref<10240x128xf32, #tpu.memory_space<vmem_shared>> -> memref<128x128xf32, #tpu.memory_space<vmem_shared>>
      tpu.wait_dma2 semaphore(%run_scoped3A : memref<!tpu.dma_semaphore, #tpu.memory_space<semaphore_mem>>) src(%arg7 : memref<128x128xf32, #tpu.memory_space<vmem>>) dst(%dma_wait3A_53 : memref<128x128xf32, #tpu.memory_space<vmem_shared>>)
      tpu.yield
    }) : () -> ()
    %mul3A_13 = arith.constant 640 : i32
    %mul3A_14 = arith.muli %arg1, %mul3A_13 : i32
    %add3A_15 = arith.constant 384 : i32
    %add3A_16 = arith.addi %mul3A_14, %add3A_15 : i32
    "tpu.region"() ({
      %run_scoped3A = tpu.sem_alloc : memref<!tpu.dma_semaphore, #tpu.memory_space<semaphore_mem>>
      %dma_start3A = arith.constant 0 : i32
      %dma_start3A_48 = tpu.memref_slice %arg8[%add3A_16, %dma_start3A] : memref<10240x128xf32, #tpu.memory_space<vmem_shared>> -> memref<128x128xf32, #tpu.memory_space<vmem_shared>>
      %dma_start3A_49 = arith.constant 0 : i32
      %dma_start3A_50 = tpu.memref_slice %arg8[%add3A_16, %dma_start3A_49] : memref<10240x128xf32, #tpu.memory_space<vmem_shared>> -> memref<128x128xf32, #tpu.memory_space<vmem_shared>>
      tpu.enqueue_dma source(%arg7 : memref<128x128xf32, #tpu.memory_space<vmem>>) target(%dma_start3A_50 : memref<128x128xf32, #tpu.memory_space<vmem_shared>>) target_semaphore(%run_scoped3A : memref<!tpu.dma_semaphore, #tpu.memory_space<semaphore_mem>>)
      %dma_wait3A = arith.constant 0 : i32
      %dma_wait3A_51 = tpu.memref_slice %arg8[%add3A_16, %dma_wait3A] : memref<10240x128xf32, #tpu.memory_space<vmem_shared>> -> memref<128x128xf32, #tpu.memory_space<vmem_shared>>
      %dma_wait3A_52 = arith.constant 0 : i32
      %dma_wait3A_53 = tpu.memref_slice %arg8[%add3A_16, %dma_wait3A_52] : memref<10240x128xf32, #tpu.memory_space<vmem_shared>> -> memref<128x128xf32, #tpu.memory_space<vmem_shared>>
      tpu.wait_dma2 semaphore(%run_scoped3A : memref<!tpu.dma_semaphore, #tpu.memory_space<semaphore_mem>>) src(%arg7 : memref<128x128xf32, #tpu.memory_space<vmem>>) dst(%dma_wait3A_53 : memref<128x128xf32, #tpu.memory_space<vmem_shared>>)
      tpu.yield
    }) : () -> ()
    %mul3A_17 = arith.constant 640 : i32
    %mul3A_18 = arith.muli %arg1, %mul3A_17 : i32
    %add3A_19 = arith.constant 512 : i32
    %add3A_20 = arith.addi %mul3A_18, %add3A_19 : i32
    "tpu.region"() ({
      %run_scoped3A = tpu.sem_alloc : memref<!tpu.dma_semaphore, #tpu.memory_space<semaphore_mem>>
      %dma_start3A = arith.constant 0 : i32
      %dma_start3A_48 = tpu.memref_slice %arg8[%add3A_20, %dma_start3A] : memref<10240x128xf32, #tpu.memory_space<vmem_shared>> -> memref<128x128xf32, #tpu.memory_space<vmem_shared>>
      %dma_start3A_49 = arith.constant 0 : i32
      %dma_start3A_50 = tpu.memref_slice %arg8[%add3A_20, %dma_start3A_49] : memref<10240x128xf32, #tpu.memory_space<vmem_shared>> -> memref<128x128xf32, #tpu.memory_space<vmem_shared>>
      tpu.enqueue_dma source(%arg7 : memref<128x128xf32, #tpu.memory_space<vmem>>) target(%dma_start3A_50 : memref<128x128xf32, #tpu.memory_space<vmem_shared>>) target_semaphore(%run_scoped3A : memref<!tpu.dma_semaphore, #tpu.memory_space<semaphore_mem>>)
      %dma_wait3A = arith.constant 0 : i32
      %dma_wait3A_51 = tpu.memref_slice %arg8[%add3A_20, %dma_wait3A] : memref<10240x128xf32, #tpu.memory_space<vmem_shared>> -> memref<128x128xf32, #tpu.memory_space<vmem_shared>>
      %dma_wait3A_52 = arith.constant 0 : i32
      %dma_wait3A_53 = tpu.memref_slice %arg8[%add3A_20, %dma_wait3A_52] : memref<10240x128xf32, #tpu.memory_space<vmem_shared>> -> memref<128x128xf32, #tpu.memory_space<vmem_shared>>
      tpu.wait_dma2 semaphore(%run_scoped3A : memref<!tpu.dma_semaphore, #tpu.memory_space<semaphore_mem>>) src(%arg7 : memref<128x128xf32, #tpu.memory_space<vmem>>) dst(%dma_wait3A_53 : memref<128x128xf32, #tpu.memory_space<vmem_shared>>)
      tpu.yield
    }) : () -> ()
    %barrier3A = arith.constant 0 : index
    tpu.barrier barrier_id(%barrier3A)
    %scan3A = arith.constant 0 : i32
    %scan3A_21 = arith.constant 0 : i32
    %scan3A_22 = arith.constant 84 : i32
    %scan3A_23 = arith.addi %scan3A_21, %scan3A_22 : i32
    %scan3A_24 = arith.constant 1 : i32
    %scan3A_25 = scf.for %scan3A_48 = %scan3A_21 to %scan3A_23 step %scan3A_24 iter_args(%scan3A_49 = %scan3A) -> (i32)  : i32 {
      "tpu.region"() ({
        %run_scoped3A = tpu.sem_alloc : memref<!tpu.dma_semaphore, #tpu.memory_space<semaphore_mem>>
        %dma_start3A = arith.constant 0 : i32
        %dma_start3A_51 = tpu.memref_slice %arg5[%scan3A_48, %dma_start3A] : memref<84x128xi32, #tpu.memory_space<vmem>> -> memref<1x128xi32, #tpu.memory_space<vmem>>
        %dma_start3A_52 = tpu.memref_squeeze %dma_start3A_51 : memref<1x128xi32, #tpu.memory_space<vmem>> -> memref<128xi32, #tpu.memory_space<vmem>>
        %dma_start3A_53 = arith.constant 0 : i32
        %dma_start3A_54 = arith.constant 0 : i32
        %dma_start3A_55 = tpu.memref_slice %arg8[%dma_start3A_53, %dma_start3A_54] : memref<10240x128xf32, #tpu.memory_space<vmem_shared>> -> memref<10240x128xf32, #tpu.memory_space<vmem_shared>>
        tpu.enqueue_indirect_dma source(%arg6 : memref<128x128xf32, #tpu.memory_space<vmem>>) target(%dma_start3A_55 : memref<10240x128xf32, #tpu.memory_space<vmem_shared>>) offsets(%dma_start3A_52 : memref<128xi32, #tpu.memory_space<vmem>>) semaphore(%run_scoped3A : memref<!tpu.dma_semaphore, #tpu.memory_space<semaphore_mem>>) {add = true}
        %dma_wait3A = arith.constant 0 : i32
        %dma_wait3A_56 = tpu.memref_slice %arg5[%scan3A_48, %dma_wait3A] : memref<84x128xi32, #tpu.memory_space<vmem>> -> memref<1x128xi32, #tpu.memory_space<vmem>>
        %dma_wait3A_57 = tpu.memref_squeeze %dma_wait3A_56 : memref<1x128xi32, #tpu.memory_space<vmem>> -> memref<128xi32, #tpu.memory_space<vmem>>
        %dma_wait3A_58 = arith.constant 0 : i32
        %dma_wait3A_59 = arith.constant 0 : i32
        %dma_wait3A_60 = tpu.memref_slice %arg8[%dma_wait3A_58, %dma_wait3A_59] : memref<10240x128xf32, #tpu.memory_space<vmem_shared>> -> memref<10240x128xf32, #tpu.memory_space<vmem_shared>>
        tpu.wait_indirect_dma semaphore(%run_scoped3A : memref<!tpu.dma_semaphore, #tpu.memory_space<semaphore_mem>>) src(%arg6 : memref<128x128xf32, #tpu.memory_space<vmem>>) dst(%dma_wait3A_60 : memref<10240x128xf32, #tpu.memory_space<vmem_shared>>)
        tpu.yield
      }) : () -> ()
      %scan3A_50 = arith.constant 0 : i32
      scf.yield %scan3A_50 : i32
    }
    %scan3A_26 = arith.constant 84 : i32
    %barrier3A_27 = arith.constant 0 : index
    tpu.barrier barrier_id(%barrier3A_27)
    %mul3A_28 = arith.constant 640 : i32
    %mul3A_29 = arith.muli %arg1, %mul3A_28 : i32
    %add3A_30 = arith.constant 0 : i32
    %add3A_31 = arith.addi %mul3A_29, %add3A_30 : i32
    "tpu.region"() ({
      %run_scoped3A = tpu.sem_alloc : memref<!tpu.dma_semaphore, #tpu.memory_space<semaphore_mem>>
      %dma_start3A = arith.constant 0 : i32
      %dma_start3A_48 = tpu.memref_slice %arg8[%add3A_31, %dma_start3A] : memref<10240x128xf32, #tpu.memory_space<vmem_shared>> -> memref<128x128xf32, #tpu.memory_space<vmem_shared>>
      %dma_start3A_49 = arith.constant 0 : i32
      %dma_start3A_50 = tpu.memref_slice %arg8[%add3A_31, %dma_start3A_49] : memref<10240x128xf32, #tpu.memory_space<vmem_shared>> -> memref<128x128xf32, #tpu.memory_space<vmem_shared>>
      tpu.enqueue_dma source(%dma_start3A_50 : memref<128x128xf32, #tpu.memory_space<vmem_shared>>) target(%arg7 : memref<128x128xf32, #tpu.memory_space<vmem>>) target_semaphore(%run_scoped3A : memref<!tpu.dma_semaphore, #tpu.memory_space<semaphore_mem>>)
      %dma_wait3A = arith.constant 0 : i32
      %dma_wait3A_51 = tpu.memref_slice %arg8[%add3A_31, %dma_wait3A] : memref<10240x128xf32, #tpu.memory_space<vmem_shared>> -> memref<128x128xf32, #tpu.memory_space<vmem_shared>>
      %dma_wait3A_52 = arith.constant 0 : i32
      %dma_wait3A_53 = tpu.memref_slice %arg8[%add3A_31, %dma_wait3A_52] : memref<10240x128xf32, #tpu.memory_space<vmem_shared>> -> memref<128x128xf32, #tpu.memory_space<vmem_shared>>
      tpu.wait_dma2 semaphore(%run_scoped3A : memref<!tpu.dma_semaphore, #tpu.memory_space<semaphore_mem>>) src(%dma_wait3A_53 : memref<128x128xf32, #tpu.memory_space<vmem_shared>>) dst(%arg7 : memref<128x128xf32, #tpu.memory_space<vmem>>)
      tpu.yield
    }) : () -> ()
    "tpu.region"() ({
      %run_scoped3A = tpu.sem_alloc : memref<!tpu.dma_semaphore, #tpu.memory_space<semaphore_mem>>
      %dma_start3A = arith.constant 0 : i32
      %dma_start3A_48 = tpu.memref_slice %arg4[%arg0, %add3A_31, %dma_start3A] : memref<2x10240x128xf32, #tpu.memory_space<hbm>> -> memref<1x128x128xf32, #tpu.memory_space<hbm>>
      %dma_start3A_49 = tpu.memref_squeeze %dma_start3A_48 : memref<1x128x128xf32, #tpu.memory_space<hbm>> -> memref<128x128xf32, #tpu.memory_space<hbm>>
      %dma_start3A_50 = arith.constant 0 : i32
      %dma_start3A_51 = tpu.memref_slice %arg4[%arg0, %add3A_31, %dma_start3A_50] : memref<2x10240x128xf32, #tpu.memory_space<hbm>> -> memref<1x128x128xf32, #tpu.memory_space<hbm>>
      %dma_start3A_52 = tpu.memref_squeeze %dma_start3A_51 : memref<1x128x128xf32, #tpu.memory_space<hbm>> -> memref<128x128xf32, #tpu.memory_space<hbm>>
      tpu.enqueue_dma source(%arg7 : memref<128x128xf32, #tpu.memory_space<vmem>>) target(%dma_start3A_52 : memref<128x128xf32, #tpu.memory_space<hbm>>) target_semaphore(%run_scoped3A : memref<!tpu.dma_semaphore, #tpu.memory_space<semaphore_mem>>)
      %dma_wait3A = arith.constant 0 : i32
      %dma_wait3A_53 = tpu.memref_slice %arg4[%arg0, %add3A_31, %dma_wait3A] : memref<2x10240x128xf32, #tpu.memory_space<hbm>> -> memref<1x128x128xf32, #tpu.memory_space<hbm>>
      %dma_wait3A_54 = tpu.memref_squeeze %dma_wait3A_53 : memref<1x128x128xf32, #tpu.memory_space<hbm>> -> memref<128x128xf32, #tpu.memory_space<hbm>>
      %dma_wait3A_55 = arith.constant 0 : i32
      %dma_wait3A_56 = tpu.memref_slice %arg4[%arg0, %add3A_31, %dma_wait3A_55] : memref<2x10240x128xf32, #tpu.memory_space<hbm>> -> memref<1x128x128xf32, #tpu.memory_space<hbm>>
      %dma_wait3A_57 = tpu.memref_squeeze %dma_wait3A_56 : memref<1x128x128xf32, #tpu.memory_space<hbm>> -> memref<128x128xf32, #tpu.memory_space<hbm>>
      tpu.wait_dma2 semaphore(%run_scoped3A : memref<!tpu.dma_semaphore, #tpu.memory_space<semaphore_mem>>) src(%arg7 : memref<128x128xf32, #tpu.memory_space<vmem>>) dst(%dma_wait3A_57 : memref<128x128xf32, #tpu.memory_space<hbm>>)
      tpu.yield
    }) : () -> ()
    %mul3A_32 = arith.constant 640 : i32
    %mul3A_33 = arith.muli %arg1, %mul3A_32 : i32
    %add3A_34 = arith.constant 128 : i32
    %add3A_35 = arith.addi %mul3A_33, %add3A_34 : i32
    "tpu.region"() ({
      %run_scoped3A = tpu.sem_alloc : memref<!tpu.dma_semaphore, #tpu.memory_space<semaphore_mem>>
      %dma_start3A = arith.constant 0 : i32
      %dma_start3A_48 = tpu.memref_slice %arg8[%add3A_35, %dma_start3A] : memref<10240x128xf32, #tpu.memory_space<vmem_shared>> -> memref<128x128xf32, #tpu.memory_space<vmem_shared>>
      %dma_start3A_49 = arith.constant 0 : i32
      %dma_start3A_50 = tpu.memref_slice %arg8[%add3A_35, %dma_start3A_49] : memref<10240x128xf32, #tpu.memory_space<vmem_shared>> -> memref<128x128xf32, #tpu.memory_space<vmem_shared>>
      tpu.enqueue_dma source(%dma_start3A_50 : memref<128x128xf32, #tpu.memory_space<vmem_shared>>) target(%arg7 : memref<128x128xf32, #tpu.memory_space<vmem>>) target_semaphore(%run_scoped3A : memref<!tpu.dma_semaphore, #tpu.memory_space<semaphore_mem>>)
      %dma_wait3A = arith.constant 0 : i32
      %dma_wait3A_51 = tpu.memref_slice %arg8[%add3A_35, %dma_wait3A] : memref<10240x128xf32, #tpu.memory_space<vmem_shared>> -> memref<128x128xf32, #tpu.memory_space<vmem_shared>>
      %dma_wait3A_52 = arith.constant 0 : i32
      %dma_wait3A_53 = tpu.memref_slice %arg8[%add3A_35, %dma_wait3A_52] : memref<10240x128xf32, #tpu.memory_space<vmem_shared>> -> memref<128x128xf32, #tpu.memory_space<vmem_shared>>
      tpu.wait_dma2 semaphore(%run_scoped3A : memref<!tpu.dma_semaphore, #tpu.memory_space<semaphore_mem>>) src(%dma_wait3A_53 : memref<128x128xf32, #tpu.memory_space<vmem_shared>>) dst(%arg7 : memref<128x128xf32, #tpu.memory_space<vmem>>)
      tpu.yield
    }) : () -> ()
    "tpu.region"() ({
      %run_scoped3A = tpu.sem_alloc : memref<!tpu.dma_semaphore, #tpu.memory_space<semaphore_mem>>
      %dma_start3A = arith.constant 0 : i32
      %dma_start3A_48 = tpu.memref_slice %arg4[%arg0, %add3A_35, %dma_start3A] : memref<2x10240x128xf32, #tpu.memory_space<hbm>> -> memref<1x128x128xf32, #tpu.memory_space<hbm>>
      %dma_start3A_49 = tpu.memref_squeeze %dma_start3A_48 : memref<1x128x128xf32, #tpu.memory_space<hbm>> -> memref<128x128xf32, #tpu.memory_space<hbm>>
      %dma_start3A_50 = arith.constant 0 : i32
      %dma_start3A_51 = tpu.memref_slice %arg4[%arg0, %add3A_35, %dma_start3A_50] : memref<2x10240x128xf32, #tpu.memory_space<hbm>> -> memref<1x128x128xf32, #tpu.memory_space<hbm>>
      %dma_start3A_52 = tpu.memref_squeeze %dma_start3A_51 : memref<1x128x128xf32, #tpu.memory_space<hbm>> -> memref<128x128xf32, #tpu.memory_space<hbm>>
      tpu.enqueue_dma source(%arg7 : memref<128x128xf32, #tpu.memory_space<vmem>>) target(%dma_start3A_52 : memref<128x128xf32, #tpu.memory_space<hbm>>) target_semaphore(%run_scoped3A : memref<!tpu.dma_semaphore, #tpu.memory_space<semaphore_mem>>)
      %dma_wait3A = arith.constant 0 : i32
      %dma_wait3A_53 = tpu.memref_slice %arg4[%arg0, %add3A_35, %dma_wait3A] : memref<2x10240x128xf32, #tpu.memory_space<hbm>> -> memref<1x128x128xf32, #tpu.memory_space<hbm>>
      %dma_wait3A_54 = tpu.memref_squeeze %dma_wait3A_53 : memref<1x128x128xf32, #tpu.memory_space<hbm>> -> memref<128x128xf32, #tpu.memory_space<hbm>>
      %dma_wait3A_55 = arith.constant 0 : i32
      %dma_wait3A_56 = tpu.memref_slice %arg4[%arg0, %add3A_35, %dma_wait3A_55] : memref<2x10240x128xf32, #tpu.memory_space<hbm>> -> memref<1x128x128xf32, #tpu.memory_space<hbm>>
      %dma_wait3A_57 = tpu.memref_squeeze %dma_wait3A_56 : memref<1x128x128xf32, #tpu.memory_space<hbm>> -> memref<128x128xf32, #tpu.memory_space<hbm>>
      tpu.wait_dma2 semaphore(%run_scoped3A : memref<!tpu.dma_semaphore, #tpu.memory_space<semaphore_mem>>) src(%arg7 : memref<128x128xf32, #tpu.memory_space<vmem>>) dst(%dma_wait3A_57 : memref<128x128xf32, #tpu.memory_space<hbm>>)
      tpu.yield
    }) : () -> ()
    %mul3A_36 = arith.constant 640 : i32
    %mul3A_37 = arith.muli %arg1, %mul3A_36 : i32
    %add3A_38 = arith.constant 256 : i32
    %add3A_39 = arith.addi %mul3A_37, %add3A_38 : i32
    "tpu.region"() ({
      %run_scoped3A = tpu.sem_alloc : memref<!tpu.dma_semaphore, #tpu.memory_space<semaphore_mem>>
      %dma_start3A = arith.constant 0 : i32
      %dma_start3A_48 = tpu.memref_slice %arg8[%add3A_39, %dma_start3A] : memref<10240x128xf32, #tpu.memory_space<vmem_shared>> -> memref<128x128xf32, #tpu.memory_space<vmem_shared>>
      %dma_start3A_49 = arith.constant 0 : i32
      %dma_start3A_50 = tpu.memref_slice %arg8[%add3A_39, %dma_start3A_49] : memref<10240x128xf32, #tpu.memory_space<vmem_shared>> -> memref<128x128xf32, #tpu.memory_space<vmem_shared>>
      tpu.enqueue_dma source(%dma_start3A_50 : memref<128x128xf32, #tpu.memory_space<vmem_shared>>) target(%arg7 : memref<128x128xf32, #tpu.memory_space<vmem>>) target_semaphore(%run_scoped3A : memref<!tpu.dma_semaphore, #tpu.memory_space<semaphore_mem>>)
      %dma_wait3A = arith.constant 0 : i32
      %dma_wait3A_51 = tpu.memref_slice %arg8[%add3A_39, %dma_wait3A] : memref<10240x128xf32, #tpu.memory_space<vmem_shared>> -> memref<128x128xf32, #tpu.memory_space<vmem_shared>>
      %dma_wait3A_52 = arith.constant 0 : i32
      %dma_wait3A_53 = tpu.memref_slice %arg8[%add3A_39, %dma_wait3A_52] : memref<10240x128xf32, #tpu.memory_space<vmem_shared>> -> memref<128x128xf32, #tpu.memory_space<vmem_shared>>
      tpu.wait_dma2 semaphore(%run_scoped3A : memref<!tpu.dma_semaphore, #tpu.memory_space<semaphore_mem>>) src(%dma_wait3A_53 : memref<128x128xf32, #tpu.memory_space<vmem_shared>>) dst(%arg7 : memref<128x128xf32, #tpu.memory_space<vmem>>)
      tpu.yield
    }) : () -> ()
    "tpu.region"() ({
      %run_scoped3A = tpu.sem_alloc : memref<!tpu.dma_semaphore, #tpu.memory_space<semaphore_mem>>
      %dma_start3A = arith.constant 0 : i32
      %dma_start3A_48 = tpu.memref_slice %arg4[%arg0, %add3A_39, %dma_start3A] : memref<2x10240x128xf32, #tpu.memory_space<hbm>> -> memref<1x128x128xf32, #tpu.memory_space<hbm>>
      %dma_start3A_49 = tpu.memref_squeeze %dma_start3A_48 : memref<1x128x128xf32, #tpu.memory_space<hbm>> -> memref<128x128xf32, #tpu.memory_space<hbm>>
      %dma_start3A_50 = arith.constant 0 : i32
      %dma_start3A_51 = tpu.memref_slice %arg4[%arg0, %add3A_39, %dma_start3A_50] : memref<2x10240x128xf32, #tpu.memory_space<hbm>> -> memref<1x128x128xf32, #tpu.memory_space<hbm>>
      %dma_start3A_52 = tpu.memref_squeeze %dma_start3A_51 : memref<1x128x128xf32, #tpu.memory_space<hbm>> -> memref<128x128xf32, #tpu.memory_space<hbm>>
      tpu.enqueue_dma source(%arg7 : memref<128x128xf32, #tpu.memory_space<vmem>>) target(%dma_start3A_52 : memref<128x128xf32, #tpu.memory_space<hbm>>) target_semaphore(%run_scoped3A : memref<!tpu.dma_semaphore, #tpu.memory_space<semaphore_mem>>)
      %dma_wait3A = arith.constant 0 : i32
      %dma_wait3A_53 = tpu.memref_slice %arg4[%arg0, %add3A_39, %dma_wait3A] : memref<2x10240x128xf32, #tpu.memory_space<hbm>> -> memref<1x128x128xf32, #tpu.memory_space<hbm>>
      %dma_wait3A_54 = tpu.memref_squeeze %dma_wait3A_53 : memref<1x128x128xf32, #tpu.memory_space<hbm>> -> memref<128x128xf32, #tpu.memory_space<hbm>>
      %dma_wait3A_55 = arith.constant 0 : i32
      %dma_wait3A_56 = tpu.memref_slice %arg4[%arg0, %add3A_39, %dma_wait3A_55] : memref<2x10240x128xf32, #tpu.memory_space<hbm>> -> memref<1x128x128xf32, #tpu.memory_space<hbm>>
      %dma_wait3A_57 = tpu.memref_squeeze %dma_wait3A_56 : memref<1x128x128xf32, #tpu.memory_space<hbm>> -> memref<128x128xf32, #tpu.memory_space<hbm>>
      tpu.wait_dma2 semaphore(%run_scoped3A : memref<!tpu.dma_semaphore, #tpu.memory_space<semaphore_mem>>) src(%arg7 : memref<128x128xf32, #tpu.memory_space<vmem>>) dst(%dma_wait3A_57 : memref<128x128xf32, #tpu.memory_space<hbm>>)
      tpu.yield
    }) : () -> ()
    %mul3A_40 = arith.constant 640 : i32
    %mul3A_41 = arith.muli %arg1, %mul3A_40 : i32
    %add3A_42 = arith.constant 384 : i32
    %add3A_43 = arith.addi %mul3A_41, %add3A_42 : i32
    "tpu.region"() ({
      %run_scoped3A = tpu.sem_alloc : memref<!tpu.dma_semaphore, #tpu.memory_space<semaphore_mem>>
      %dma_start3A = arith.constant 0 : i32
      %dma_start3A_48 = tpu.memref_slice %arg8[%add3A_43, %dma_start3A] : memref<10240x128xf32, #tpu.memory_space<vmem_shared>> -> memref<128x128xf32, #tpu.memory_space<vmem_shared>>
      %dma_start3A_49 = arith.constant 0 : i32
      %dma_start3A_50 = tpu.memref_slice %arg8[%add3A_43, %dma_start3A_49] : memref<10240x128xf32, #tpu.memory_space<vmem_shared>> -> memref<128x128xf32, #tpu.memory_space<vmem_shared>>
      tpu.enqueue_dma source(%dma_start3A_50 : memref<128x128xf32, #tpu.memory_space<vmem_shared>>) target(%arg7 : memref<128x128xf32, #tpu.memory_space<vmem>>) target_semaphore(%run_scoped3A : memref<!tpu.dma_semaphore, #tpu.memory_space<semaphore_mem>>)
      %dma_wait3A = arith.constant 0 : i32
      %dma_wait3A_51 = tpu.memref_slice %arg8[%add3A_43, %dma_wait3A] : memref<10240x128xf32, #tpu.memory_space<vmem_shared>> -> memref<128x128xf32, #tpu.memory_space<vmem_shared>>
      %dma_wait3A_52 = arith.constant 0 : i32
      %dma_wait3A_53 = tpu.memref_slice %arg8[%add3A_43, %dma_wait3A_52] : memref<10240x128xf32, #tpu.memory_space<vmem_shared>> -> memref<128x128xf32, #tpu.memory_space<vmem_shared>>
      tpu.wait_dma2 semaphore(%run_scoped3A : memref<!tpu.dma_semaphore, #tpu.memory_space<semaphore_mem>>) src(%dma_wait3A_53 : memref<128x128xf32, #tpu.memory_space<vmem_shared>>) dst(%arg7 : memref<128x128xf32, #tpu.memory_space<vmem>>)
      tpu.yield
    }) : () -> ()
    "tpu.region"() ({
      %run_scoped3A = tpu.sem_alloc : memref<!tpu.dma_semaphore, #tpu.memory_space<semaphore_mem>>
      %dma_start3A = arith.constant 0 : i32
      %dma_start3A_48 = tpu.memref_slice %arg4[%arg0, %add3A_43, %dma_start3A] : memref<2x10240x128xf32, #tpu.memory_space<hbm>> -> memref<1x128x128xf32, #tpu.memory_space<hbm>>
      %dma_start3A_49 = tpu.memref_squeeze %dma_start3A_48 : memref<1x128x128xf32, #tpu.memory_space<hbm>> -> memref<128x128xf32, #tpu.memory_space<hbm>>
      %dma_start3A_50 = arith.constant 0 : i32
      %dma_start3A_51 = tpu.memref_slice %arg4[%arg0, %add3A_43, %dma_start3A_50] : memref<2x10240x128xf32, #tpu.memory_space<hbm>> -> memref<1x128x128xf32, #tpu.memory_space<hbm>>
      %dma_start3A_52 = tpu.memref_squeeze %dma_start3A_51 : memref<1x128x128xf32, #tpu.memory_space<hbm>> -> memref<128x128xf32, #tpu.memory_space<hbm>>
      tpu.enqueue_dma source(%arg7 : memref<128x128xf32, #tpu.memory_space<vmem>>) target(%dma_start3A_52 : memref<128x128xf32, #tpu.memory_space<hbm>>) target_semaphore(%run_scoped3A : memref<!tpu.dma_semaphore, #tpu.memory_space<semaphore_mem>>)
      %dma_wait3A = arith.constant 0 : i32
      %dma_wait3A_53 = tpu.memref_slice %arg4[%arg0, %add3A_43, %dma_wait3A] : memref<2x10240x128xf32, #tpu.memory_space<hbm>> -> memref<1x128x128xf32, #tpu.memory_space<hbm>>
      %dma_wait3A_54 = tpu.memref_squeeze %dma_wait3A_53 : memref<1x128x128xf32, #tpu.memory_space<hbm>> -> memref<128x128xf32, #tpu.memory_space<hbm>>
      %dma_wait3A_55 = arith.constant 0 : i32
      %dma_wait3A_56 = tpu.memref_slice %arg4[%arg0, %add3A_43, %dma_wait3A_55] : memref<2x10240x128xf32, #tpu.memory_space<hbm>> -> memref<1x128x128xf32, #tpu.memory_space<hbm>>
      %dma_wait3A_57 = tpu.memref_squeeze %dma_wait3A_56 : memref<1x128x128xf32, #tpu.memory_space<hbm>> -> memref<128x128xf32, #tpu.memory_space<hbm>>
      tpu.wait_dma2 semaphore(%run_scoped3A : memref<!tpu.dma_semaphore, #tpu.memory_space<semaphore_mem>>) src(%arg7 : memref<128x128xf32, #tpu.memory_space<vmem>>) dst(%dma_wait3A_57 : memref<128x128xf32, #tpu.memory_space<hbm>>)
      tpu.yield
    }) : () -> ()
    %mul3A_44 = arith.constant 640 : i32
    %mul3A_45 = arith.muli %arg1, %mul3A_44 : i32
    %add3A_46 = arith.constant 512 : i32
    %add3A_47 = arith.addi %mul3A_45, %add3A_46 : i32
    "tpu.region"() ({
      %run_scoped3A = tpu.sem_alloc : memref<!tpu.dma_semaphore, #tpu.memory_space<semaphore_mem>>
      %dma_start3A = arith.constant 0 : i32
      %dma_start3A_48 = tpu.memref_slice %arg8[%add3A_47, %dma_start3A] : memref<10240x128xf32, #tpu.memory_space<vmem_shared>> -> memref<128x128xf32, #tpu.memory_space<vmem_shared>>
      %dma_start3A_49 = arith.constant 0 : i32
      %dma_start3A_50 = tpu.memref_slice %arg8[%add3A_47, %dma_start3A_49] : memref<10240x128xf32, #tpu.memory_space<vmem_shared>> -> memref<128x128xf32, #tpu.memory_space<vmem_shared>>
      tpu.enqueue_dma source(%dma_start3A_50 : memref<128x128xf32, #tpu.memory_space<vmem_shared>>) target(%arg7 : memref<128x128xf32, #tpu.memory_space<vmem>>) target_semaphore(%run_scoped3A : memref<!tpu.dma_semaphore, #tpu.memory_space<semaphore_mem>>)
      %dma_wait3A = arith.constant 0 : i32
      %dma_wait3A_51 = tpu.memref_slice %arg8[%add3A_47, %dma_wait3A] : memref<10240x128xf32, #tpu.memory_space<vmem_shared>> -> memref<128x128xf32, #tpu.memory_space<vmem_shared>>
      %dma_wait3A_52 = arith.constant 0 : i32
      %dma_wait3A_53 = tpu.memref_slice %arg8[%add3A_47, %dma_wait3A_52] : memref<10240x128xf32, #tpu.memory_space<vmem_shared>> -> memref<128x128xf32, #tpu.memory_space<vmem_shared>>
      tpu.wait_dma2 semaphore(%run_scoped3A : memref<!tpu.dma_semaphore, #tpu.memory_space<semaphore_mem>>) src(%dma_wait3A_53 : memref<128x128xf32, #tpu.memory_space<vmem_shared>>) dst(%arg7 : memref<128x128xf32, #tpu.memory_space<vmem>>)
      tpu.yield
    }) : () -> ()
    "tpu.region"() ({
      %run_scoped3A = tpu.sem_alloc : memref<!tpu.dma_semaphore, #tpu.memory_space<semaphore_mem>>
      %dma_start3A = arith.constant 0 : i32
      %dma_start3A_48 = tpu.memref_slice %arg4[%arg0, %add3A_47, %dma_start3A] : memref<2x10240x128xf32, #tpu.memory_space<hbm>> -> memref<1x128x128xf32, #tpu.memory_space<hbm>>
      %dma_start3A_49 = tpu.memref_squeeze %dma_start3A_48 : memref<1x128x128xf32, #tpu.memory_space<hbm>> -> memref<128x128xf32, #tpu.memory_space<hbm>>
      %dma_start3A_50 = arith.constant 0 : i32
      %dma_start3A_51 = tpu.memref_slice %arg4[%arg0, %add3A_47, %dma_start3A_50] : memref<2x10240x128xf32, #tpu.memory_space<hbm>> -> memref<1x128x128xf32, #tpu.memory_space<hbm>>
      %dma_start3A_52 = tpu.memref_squeeze %dma_start3A_51 : memref<1x128x128xf32, #tpu.memory_space<hbm>> -> memref<128x128xf32, #tpu.memory_space<hbm>>
      tpu.enqueue_dma source(%arg7 : memref<128x128xf32, #tpu.memory_space<vmem>>) target(%dma_start3A_52 : memref<128x128xf32, #tpu.memory_space<hbm>>) target_semaphore(%run_scoped3A : memref<!tpu.dma_semaphore, #tpu.memory_space<semaphore_mem>>)
      %dma_wait3A = arith.constant 0 : i32
      %dma_wait3A_53 = tpu.memref_slice %arg4[%arg0, %add3A_47, %dma_wait3A] : memref<2x10240x128xf32, #tpu.memory_space<hbm>> -> memref<1x128x128xf32, #tpu.memory_space<hbm>>
      %dma_wait3A_54 = tpu.memref_squeeze %dma_wait3A_53 : memref<1x128x128xf32, #tpu.memory_space<hbm>> -> memref<128x128xf32, #tpu.memory_space<hbm>>
      %dma_wait3A_55 = arith.constant 0 : i32
      %dma_wait3A_56 = tpu.memref_slice %arg4[%arg0, %add3A_47, %dma_wait3A_55] : memref<2x10240x128xf32, #tpu.memory_space<hbm>> -> memref<1x128x128xf32, #tpu.memory_space<hbm>>
      %dma_wait3A_57 = tpu.memref_squeeze %dma_wait3A_56 : memref<1x128x128xf32, #tpu.memory_space<hbm>> -> memref<128x128xf32, #tpu.memory_space<hbm>>
      tpu.wait_dma2 semaphore(%run_scoped3A : memref<!tpu.dma_semaphore, #tpu.memory_space<semaphore_mem>>) src(%arg7 : memref<128x128xf32, #tpu.memory_space<vmem>>) dst(%dma_wait3A_57 : memref<128x128xf32, #tpu.memory_space<hbm>>)
      tpu.yield
    }) : () -> ()
    return
  }
}

module attributes {stable_mosaic.version = 14 : i64} {
  func.func @_tc_a_body(%arg0: memref<10240x128xf32, #tpu.memory_space<vmem>>, %arg1: memref<128x128xf32, #tpu.memory_space<vmem>>, %arg2: memref<2x10240x128xf32, #tpu.memory_space<vmem>>, %arg3: memref<10240x128xf32, #tpu.memory_space<vmem>>, %arg4: memref<10240x1xf32, #tpu.memory_space<vmem>>) attributes {dimension_semantics = [], scalar_prefetch = 0 : i64, scratch_operands = 0 : i64, tpu.core_type = #tpu.core_type<tc>} {
    %get3A = arith.constant 0 : index
    %get3A_0 = arith.constant 0 : index
    %get3A_1 = arith.constant 0 : index
    %get3A_2 = vector.load %arg2[%get3A, %get3A_0, %get3A_1] : memref<2x10240x128xf32, #tpu.memory_space<vmem>>, vector<2x10240x128xf32>
    %slice3A = vector.extract_strided_slice %get3A_2 {offsets = [0, 0, 0], sizes = [1, 10240, 1], strides = [1, 1, 1]} : vector<2x10240x128xf32> to vector<1x10240x1xf32>
    %squeeze3A = vector.shape_cast %slice3A : vector<1x10240x1xf32> to vector<10240x1xf32>
    %slice3A_3 = vector.extract_strided_slice %get3A_2 {offsets = [1, 0, 0], sizes = [1, 10240, 1], strides = [1, 1, 1]} : vector<2x10240x128xf32> to vector<1x10240x1xf32>
    %squeeze3A_4 = vector.shape_cast %slice3A_3 : vector<1x10240x1xf32> to vector<10240x1xf32>
    %add3A = arith.addf %squeeze3A, %squeeze3A_4 : vector<10240x1xf32>
    %gt3A = arith.constant 0.000000e+00 : f32
    %gt3A_5 = vector.broadcast %gt3A : f32 to vector<10240x1xf32>
    %gt3A_6 = arith.cmpf ogt, %add3A, %gt3A_5 : vector<10240x1xf32>
    %max3A = arith.constant 9.99999996E-13 : f32
    %max3A_7 = vector.broadcast %max3A : f32 to vector<10240x1xf32>
    %max3A_8 = arith.maximumf %add3A, %max3A_7 : vector<10240x1xf32>
    %rsqrt3A = math.rsqrt %max3A_8 : vector<10240x1xf32>
    %jit3A = arith.constant 0.000000e+00 : f32
    %broadcast_in_dim3A = vector.broadcast %jit3A : f32 to vector<10240x1xf32>
    %select_n3A = arith.select %gt3A_6, %rsqrt3A, %broadcast_in_dim3A : vector<10240x1xi1>, vector<10240x1xf32>
    %get3A_9 = arith.constant 0 : index
    %get3A_10 = arith.constant 0 : index
    %get3A_11 = vector.load %arg0[%get3A_9, %get3A_10] : memref<10240x128xf32, #tpu.memory_space<vmem>>, vector<10240x128xf32>
    %get3A_12 = arith.constant 0 : index
    %get3A_13 = arith.constant 0 : index
    %get3A_14 = vector.load %arg1[%get3A_12, %get3A_13] : memref<128x128xf32, #tpu.memory_space<vmem>>, vector<128x128xf32>
    %dot_general3A = arith.constant dense<0.000000e+00> : vector<10240x128xf32>
    %dot_general3A_15 = tpu.matmul %get3A_11, %get3A_14, %dot_general3A {dimension_numbers = #tpu.dot_dimension_numbers<[1], [0], [0], [1], [0, 0, 1, 1], [], []>, transpose_lhs_hint = false} : vector<10240x128xf32>, vector<128x128xf32>, vector<10240x128xf32> -> vector<10240x128xf32>
    %mul3A = vector.broadcast %select_n3A : vector<10240x1xf32> to vector<10240x128xf32>
    %mul3A_16 = arith.mulf %dot_general3A_15, %mul3A : vector<10240x128xf32>
    %swap3A = arith.constant 0 : index
    %swap3A_17 = arith.constant 0 : index
    %swap3A_18 = vector.load %arg3[%swap3A, %swap3A_17] : memref<10240x128xf32, #tpu.memory_space<vmem>>, vector<10240x128xf32>
    tpu.vector_store %arg3[%swap3A, %swap3A_17], %mul3A_16 {strides = array<i32>} : memref<10240x128xf32, #tpu.memory_space<vmem>>, vector<10240x128xf32>,
    %swap3A_19 = arith.constant 0 : index
    %swap3A_20 = arith.constant 0 : index
    %swap3A_21 = vector.load %arg4[%swap3A_19, %swap3A_20] : memref<10240x1xf32, #tpu.memory_space<vmem>>, vector<10240x1xf32>
    tpu.vector_store %arg4[%swap3A_19, %swap3A_20], %select_n3A {strides = array<i32>} : memref<10240x1xf32, #tpu.memory_space<vmem>>, vector<10240x1xf32>,
    return
  }
}

module attributes {stable_mosaic.version = 14 : i64} {
  func.func @_tc_b_body(%arg0: memref<2x10240x128xf32, #tpu.memory_space<vmem>>, %arg1: memref<10240x1xf32, #tpu.memory_space<vmem>>, %arg2: memref<1x128xf32, #tpu.memory_space<vmem>>, %arg3: memref<1x128xf32, #tpu.memory_space<vmem>>, %arg4: memref<1x128xf32, #tpu.memory_space<vmem>>, %arg5: memref<128x128xf32, #tpu.memory_space<vmem>>, %arg6: memref<1x128xf32, #tpu.memory_space<vmem>>, %arg7: memref<128x8xf32, #tpu.memory_space<vmem>>, %arg8: memref<1x8xf32, #tpu.memory_space<vmem>>, %arg9: memref<1x8xf32, #tpu.memory_space<vmem>>) attributes {dimension_semantics = [], scalar_prefetch = 0 : i64, scratch_operands = 0 : i64, tpu.core_type = #tpu.core_type<tc>} {
    %get3A = arith.constant 0 : index
    %get3A_0 = arith.constant 0 : index
    %get3A_1 = arith.constant 0 : index
    %get3A_2 = vector.load %arg0[%get3A, %get3A_0, %get3A_1] : memref<2x10240x128xf32, #tpu.memory_space<vmem>>, vector<2x10240x128xf32>
    %slice3A = vector.extract_strided_slice %get3A_2 {offsets = [0, 0, 0], sizes = [1, 10240, 128], strides = [1, 1, 1]} : vector<2x10240x128xf32> to vector<1x10240x128xf32>
    %squeeze3A = vector.shape_cast %slice3A : vector<1x10240x128xf32> to vector<10240x128xf32>
    %slice3A_3 = vector.extract_strided_slice %get3A_2 {offsets = [1, 0, 0], sizes = [1, 10240, 128], strides = [1, 1, 1]} : vector<2x10240x128xf32> to vector<1x10240x128xf32>
    %squeeze3A_4 = vector.shape_cast %slice3A_3 : vector<1x10240x128xf32> to vector<10240x128xf32>
    %add3A = arith.addf %squeeze3A, %squeeze3A_4 : vector<10240x128xf32>
    %get3A_5 = arith.constant 0 : index
    %get3A_6 = arith.constant 0 : index
    %get3A_7 = vector.load %arg1[%get3A_5, %get3A_6] : memref<10240x1xf32, #tpu.memory_space<vmem>>, vector<10240x1xf32>
    %mul3A = vector.broadcast %get3A_7 : vector<10240x1xf32> to vector<10240x128xf32>
    %mul3A_8 = arith.mulf %mul3A, %add3A : vector<10240x128xf32>
    %get3A_9 = arith.constant 0 : index
    %get3A_10 = arith.constant 0 : index
    %get3A_11 = vector.load %arg2[%get3A_9, %get3A_10] : memref<1x128xf32, #tpu.memory_space<vmem>>, vector<1x128xf32>
    %add3A_12 = vector.broadcast %get3A_11 : vector<1x128xf32> to vector<10240x128xf32>
    %add3A_13 = arith.addf %mul3A_8, %add3A_12 : vector<10240x128xf32>
    %max3A = arith.constant 0.000000e+00 : f32
    %max3A_14 = vector.broadcast %max3A : f32 to vector<10240x128xf32>
    %max3A_15 = arith.maximumf %add3A_13, %max3A_14 : vector<10240x128xf32>
    %reduce_sum3A = arith.constant dense<0.000000e+00> : vector<10240xf32>
    %reduce_sum3A_16 = vector.multi_reduction <add>, %max3A_15, %reduce_sum3A [1] : vector<10240x128xf32> to vector<10240xf32>
    %broadcast_in_dim3A = vector.shape_cast %reduce_sum3A_16 : vector<10240xf32> to vector<10240x1xf32>
    %div3A = arith.constant 1.280000e+02 : f32
    %div3A_17 = vector.broadcast %div3A : f32 to vector<10240x1xf32>
    %div3A_18 = arith.divf %broadcast_in_dim3A, %div3A_17 : vector<10240x1xf32>
    %sub3A = vector.broadcast %div3A_18 : vector<10240x1xf32> to vector<10240x128xf32>
    %sub3A_19 = arith.subf %max3A_15, %sub3A : vector<10240x128xf32>
    %mul3A_20 = arith.mulf %sub3A_19, %sub3A_19 : vector<10240x128xf32>
    %reduce_sum3A_21 = arith.constant dense<0.000000e+00> : vector<10240xf32>
    %reduce_sum3A_22 = vector.multi_reduction <add>, %mul3A_20, %reduce_sum3A_21 [1] : vector<10240x128xf32> to vector<10240xf32>
    %broadcast_in_dim3A_23 = vector.shape_cast %reduce_sum3A_22 : vector<10240xf32> to vector<10240x1xf32>
    %div3A_24 = arith.constant 1.280000e+02 : f32
    %div3A_25 = vector.broadcast %div3A_24 : f32 to vector<10240x1xf32>
    %div3A_26 = arith.divf %broadcast_in_dim3A_23, %div3A_25 : vector<10240x1xf32>
    %add3A_27 = arith.constant 9.99999974E-6 : f32
    %add3A_28 = vector.broadcast %add3A_27 : f32 to vector<10240x1xf32>
    %add3A_29 = arith.addf %div3A_26, %add3A_28 : vector<10240x1xf32>
    %rsqrt3A = math.rsqrt %add3A_29 : vector<10240x1xf32>
    %mul3A_30 = vector.broadcast %rsqrt3A : vector<10240x1xf32> to vector<10240x128xf32>
    %mul3A_31 = arith.mulf %sub3A_19, %mul3A_30 : vector<10240x128xf32>
    %get3A_32 = arith.constant 0 : index
    %get3A_33 = arith.constant 0 : index
    %get3A_34 = vector.load %arg3[%get3A_32, %get3A_33] : memref<1x128xf32, #tpu.memory_space<vmem>>, vector<1x128xf32>
    %mul3A_35 = vector.broadcast %get3A_34 : vector<1x128xf32> to vector<10240x128xf32>
    %mul3A_36 = arith.mulf %mul3A_31, %mul3A_35 : vector<10240x128xf32>
    %get3A_37 = arith.constant 0 : index
    %get3A_38 = arith.constant 0 : index
    %get3A_39 = vector.load %arg4[%get3A_37, %get3A_38] : memref<1x128xf32, #tpu.memory_space<vmem>>, vector<1x128xf32>
    %add3A_40 = vector.broadcast %get3A_39 : vector<1x128xf32> to vector<10240x128xf32>
    %add3A_41 = arith.addf %mul3A_36, %add3A_40 : vector<10240x128xf32>
    %iota3A = tpu.iota {dimensions = array<i32: 0>} : vector<10240x1xi32>
    %lt3A = arith.constant 10000 : i32
    %lt3A_42 = vector.broadcast %lt3A : i32 to vector<10240x1xi32>
    %lt3A_43 = arith.cmpi slt, %iota3A, %lt3A_42 : vector<10240x1xi32>
    %jit3A = arith.constant 0.000000e+00 : f32
    %broadcast_in_dim3A_44 = vector.shape_cast %lt3A_43 : vector<10240x1xi1> to vector<10240x1xi1>
    %broadcast_in_dim3A_45 = vector.broadcast %broadcast_in_dim3A_44 : vector<10240x1xi1> to vector<10240x128xi1>
    %broadcast_in_dim3A_46 = vector.broadcast %jit3A : f32 to vector<10240x128xf32>
    %select_n3A = arith.select %broadcast_in_dim3A_45, %add3A_41, %broadcast_in_dim3A_46 : vector<10240x128xi1>, vector<10240x128xf32>
    %reduce_sum3A_47 = arith.constant dense<0.000000e+00> : vector<128xf32>
    %reduce_sum3A_48 = vector.multi_reduction <add>, %select_n3A, %reduce_sum3A_47 [0] : vector<10240x128xf32> to vector<128xf32>
    %broadcast_in_dim3A_49 = vector.shape_cast %reduce_sum3A_48 : vector<128xf32> to vector<1x128xf32>
    %get3A_50 = arith.constant 0 : index
    %get3A_51 = arith.constant 0 : index
    %get3A_52 = vector.load %arg5[%get3A_50, %get3A_51] : memref<128x128xf32, #tpu.memory_space<vmem>>, vector<128x128xf32>
    %dot_general3A = arith.constant dense<0.000000e+00> : vector<1x128xf32>
    %dot_general3A_53 = tpu.matmul %broadcast_in_dim3A_49, %get3A_52, %dot_general3A {dimension_numbers = #tpu.dot_dimension_numbers<[1], [0], [0], [1], [0, 0, 1, 1], [], []>, transpose_lhs_hint = false} : vector<1x128xf32>, vector<128x128xf32>, vector<1x128xf32> -> vector<1x128xf32>
    %get3A_54 = arith.constant 0 : index
    %get3A_55 = arith.constant 0 : index
    %get3A_56 = vector.load %arg6[%get3A_54, %get3A_55] : memref<1x128xf32, #tpu.memory_space<vmem>>, vector<1x128xf32>
    %add3A_57 = arith.addf %dot_general3A_53, %get3A_56 : vector<1x128xf32>
    %max3A_58 = arith.constant 0.000000e+00 : f32
    %max3A_59 = vector.broadcast %max3A_58 : f32 to vector<1x128xf32>
    %max3A_60 = arith.maximumf %add3A_57, %max3A_59 : vector<1x128xf32>
    %get3A_61 = arith.constant 0 : index
    %get3A_62 = arith.constant 0 : index
    %get3A_63 = vector.load %arg7[%get3A_61, %get3A_62] : memref<128x8xf32, #tpu.memory_space<vmem>>, vector<128x8xf32>
    %dot_general3A_64 = arith.constant dense<0.000000e+00> : vector<1x8xf32>
    %dot_general3A_65 = tpu.matmul %max3A_60, %get3A_63, %dot_general3A_64 {dimension_numbers = #tpu.dot_dimension_numbers<[1], [0], [0], [1], [0, 0, 1, 1], [], []>, transpose_lhs_hint = false} : vector<1x128xf32>, vector<128x8xf32>, vector<1x8xf32> -> vector<1x8xf32>
    %get3A_66 = arith.constant 0 : index
    %get3A_67 = arith.constant 0 : index
    %get3A_68 = vector.load %arg8[%get3A_66, %get3A_67] : memref<1x8xf32, #tpu.memory_space<vmem>>, vector<1x8xf32>
    %add3A_69 = arith.addf %dot_general3A_65, %get3A_68 : vector<1x8xf32>
    %tanh3A = math.tanh %add3A_69 : vector<1x8xf32>
    %mul3A_70 = arith.constant 1.000000e+00 : f32
    %mul3A_71 = vector.broadcast %mul3A_70 : f32 to vector<1x8xf32>
    %mul3A_72 = arith.mulf %mul3A_71, %tanh3A : vector<1x8xf32>
    %swap3A = arith.constant 0 : index
    %swap3A_73 = arith.constant 0 : index
    %swap3A_74 = vector.load %arg9[%swap3A, %swap3A_73] : memref<1x8xf32, #tpu.memory_space<vmem>>, vector<1x8xf32>
    tpu.vector_store %arg9[%swap3A, %swap3A_73], %mul3A_72 {strides = array<i32>} : memref<1x8xf32, #tpu.memory_space<vmem>>, vector<1x8xf32>,
    return
  }
}

</mosaic_0001>

<sc_bundles>
// kernel: kernel.6.cloned.1.call-start
scs
__scs_entry_jumppad:
0x0: {  	(pc) =	sbr.rel $0x88, $3  }
0x1: {  	(tag) =	ssettag $0x0;
	lr =	simm.s32 $0x1  }
0x2: {  	[smem:$0x3F97] =	sst lr;
	_ =	strace $0xD0000000  }
0x3: {  	_ = 	snop  }
0x4: {  	_ = 	snop  }
0x5: {  	_ = 	snop  }
0x6: {  	_ = 	snop  }
0x7: {  	_ = 	snop  }
__scs_overlays_trampoline_lowered:
0x8: {  	[smem:$0x3FA6] =	sst s0  }
0x9: {  	[smem:$0x3FA7] =	sst s1  }
0xa: {  	[smem:$0x3FA8] =	sst s2  }
0xb: {  	[smem:$0x3FA9] =	sst s3  }
0xc: {  	[smem:$0x3FAA] =	sst s4  }
0xd: {  	[smem:$0x3FAB] =	sst s5  }
0xe: {  	[smem:$0x3FAC] =	sst s6  }
0xf: {  	[smem:$0x3FAD] =	sst s7  }
0x10: {  	[smem:$0x3FAE] =	sst s8  }
0x11: {  	[smem:$0x3FAF] =	sst s9;
	s0 =	simm.s32 @!p0 $0x0  }
0x12: {  	s1 =	sld [smem:$0x3F95];
	s0 =	simm.s32 @p0 $0x1  }
0x13: {  	[smem:$0x3FB0] =	sst s0;
	s0 =	simm.s32 @!p1 $0x0  }
0x14: {  	s2 =	sld [smem:$0x3F94];
	s0 =	simm.s32 @p1 $0x1  }
0x15: {  	[smem:$0x3FB1] =	sst s0;
	s0 =	simm.s32 @!p2 $0x0  }
0x16: {  	s3 =	sld [smem:$0x3FDB];
	s0 =	simm.s32 @p2 $0x1  }
0x17: {  	s4 =	simm.s32 $0x1BF5;
	[smem:$0x3FB3] =	sst s0  }
0x18: {  	s0 =	sld [smem:$0x3F96];
	_ =	swait.ge [sflag:s4], $0x0  }
0x19: {  	s7 =	sld [smem:$0x3F97]  }
0x1a: {  	s8 =	sadd.s32 $0xFFFFE003, lr  }
0x1b: {  	s9 =	sadd.s32 $0xFFFFFEF7, lr;
	s5 =	simm.s32 $0xFFFFFFFF;
	p2 =	slt.u32 s8, $0xFFFFF086  }
0x1c: {  	p1 =	slt.u32 s9, $0xF7A;
	s5 =	simm.s32 @!p2 $0x0  }
0x1d: {  	s5 =	simm.s32 @p1 $0x1;
	p0 =	seq.s32 s7, s2  }
0x1e: {  	s7 =	smul.u32 @!p0 $0xF7A, s2;
	p2 =	seq.s32 @!p0 s5, $0x0  }
0x1f: {  	s9 =	smul.u32 $0xF7A, s1;
	s8 =	simm.s32 @!p0 $0x1BF5;
	p2 =	por !p2, p0  }
0x20: {  	[sflag:s8] =	ssyncset.s32 @!p0 $0xFFFFF086;
	s6 =	sadd.s32 @!p0 s3, s7;
	s7 =	simm.s32 @!p0 $0x108  }
0x21: {  	s3 =	sadd.s32 s3, s9;
	s6 =	sadd.s32 @!p0 $0x88, s6;
	s7 =	simm.s32 @p2 $0x1082  }
0x22: {  	[simem:s7], [sflag:s8] =	dma.local @!p0 [hbm:s6], $0xF7A  }
0x23: {  	s9 =	sor.u32 $0xD0000000, s2;
	s6 =	simm.s32 $0x108;
	_ =	swait.ge @!p0 [sflag:s8], $0x0  }
0x24: {  	s3 =	sadd.s32 $0x88, s3;
	s6 =	simm.s32 @!p1 $0x1082;
	[sflag:s4] =	ssyncset.s32 $0xFFFFF086  }
0x25: {  	[simem:s6], [sflag:s4] =	dma.local [hbm:s3], $0xF7A  }
0x26: {  	[smem:$0x3F97] =	sst s1;
	(tag) =	ssettag s2;
	_ =	strace s9  }
0x27: {  	s1 =	sld [smem:$0x3FA7]  }
0x28: {  	s2 =	sld [smem:$0x3FA8]  }
0x29: {  	s4 =	sld [smem:$0x3FAA]  }
0x2a: {  	p0 =	seq.s32 s5, $0x0;
	s5 =	sld [smem:$0x3FAB]  }
0x2b: {  	s6 =	sld [smem:$0x3FAC]  }
0x2c: {  	s7 =	sld [smem:$0x3FAD]  }
0x2d: {  	s3 =	simm.s32 $0x108;
	s8 =	sld [smem:$0x3FAE]  }
0x2e: {  	s3 =	simm.s32 @!p0 $0x1082;
	s9 =	sld [smem:$0x3FAF]  }
0x2f: {  	lr =	sadd.s32 s0, s3;
	s0 =	sld [smem:$0x3FA6]  }
0x30: {  	s3 =	sld [smem:$0x3FA9]  }
0x31: {  	[smem:$0x3FB2] =	sst s10  }
0x32: {  	s10 =	sld [smem:$0x3FB0];
	_ =	sdelay $0x3  }
0x33: {  	p0 =	seq.s32 s10, $0x1;
	s10 =	sld [smem:$0x3FB2];
	_ =	sdelay $0x3  }
0x34: {  	[smem:$0x3FB2] =	sst s10  }
0x35: {  	s10 =	sld [smem:$0x3FB1];
	_ =	sdelay $0x3  }
0x36: {  	p1 =	seq.s32 s10, $0x1;
	s10 =	sld [smem:$0x3FB2];
	_ =	sdelay $0x3  }
0x37: {  	[smem:$0x3FB2] =	sst s10  }
0x38: {  	s10 =	sld [smem:$0x3FB3]  }
0x39: {  	_ = 	snop;
	(pc) =	sbr.ind lr, $3  }
0x3a: {  	_ = 	snop  }
0x3b: {  	_ = 	snop  }
0x3c: {  	p2 =	seq.s32 s10, $0x1;
	s10 =	sld [smem:$0x3FB2]  }
0x3d: {  	_ =	shalt  }
0x3e: {  	_ =	shalt  }
0x3f: {  	_ =	shalt  }
0x40: {  	_ =	shalt  }
0x41: {  	_ =	shalt  }
0x42: {  	_ =	shalt  }
0x43: {  	_ =	shalt  }
0x44: {  	_ =	shalt  }
0x45: {  	_ =	shalt  }
0x46: {  	_ =	shalt  }
0x47: {  	_ =	shalt  }
0x48: {  	_ =	shalt  }
0x49: {  	_ =	shalt  }
0x4a: {  	_ =	shalt  }
0x4b: {  	_ =	shalt  }
0x4c: {  	_ =	shalt  }
0x4d: {  	_ =	shalt  }
0x4e: {  	_ =	shalt  }
0x4f: {  	_ =	shalt  }
0x50: {  	_ =	shalt  }
0x51: {  	_ =	shalt  }
0x52: {  	_ =	shalt  }
0x53: {  	_ =	shalt  }
0x54: {  	_ =	shalt  }
0x55: {  	_ =	shalt  }
0x56: {  	_ =	shalt  }
0x57: {  	_ =	shalt  }
0x58: {  	_ =	shalt  }
0x59: {  	_ =	shalt  }
0x5a: {  	_ =	shalt  }
0x5b: {  	_ =	shalt  }
0x5c: {  	_ =	shalt  }
0x5d: {  	_ =	shalt  }
0x5e: {  	_ =	shalt  }
0x5f: {  	_ =	shalt  }
0x60: {  	_ =	shalt  }
0x61: {  	_ =	shalt  }
0x62: {  	_ =	shalt  }
0x63: {  	_ =	shalt  }
0x64: {  	_ =	shalt  }
0x65: {  	_ =	shalt  }
0x66: {  	_ =	shalt  }
0x67: {  	_ =	shalt  }
0x68: {  	_ =	shalt  }
0x69: {  	_ =	shalt  }
0x6a: {  	_ =	shalt  }
0x6b: {  	_ =	shalt  }
0x6c: {  	_ =	shalt  }
0x6d: {  	_ =	shalt  }
0x6e: {  	_ =	shalt  }
0x6f: {  	_ =	shalt  }
0x70: {  	_ =	shalt  }
0x71: {  	_ =	shalt  }
0x72: {  	_ =	shalt  }
0x73: {  	_ =	shalt  }
0x74: {  	_ =	shalt  }
0x75: {  	_ =	shalt  }
0x76: {  	_ =	shalt  }
0x77: {  	_ =	shalt  }
0x78: {  	_ =	shalt  }
0x79: {  	_ =	shalt  }
0x7a: {  	_ =	shalt  }
0x7b: {  	_ =	shalt  }
0x7c: {  	_ =	shalt  }
0x7d: {  	_ =	shalt  }
0x7e: {  	_ =	shalt  }
0x7f: {  	_ =	shalt  }
0x80: {  	_ =	shalt  }
0x81: {  	_ =	shalt  }
0x82: {  	_ =	shalt  }
0x83: {  	_ =	shalt  }
0x84: {  	_ =	shalt  }
0x85: {  	_ =	shalt  }
0x86: {  	_ =	shalt  }
0x87: {  	_ =	shalt  }
.Lfunc_end0:
.L_simem_size_0:
called_computation_lowered:
.L_overlay_start_0:
0x88: {  	s2 =	sld [smem:$0x3FD9]  }
0x89: {  	s3 =	sld [smem:$0x3FFE];
	_ =	sdelay $0x1  }
0x8a: {  	s1 =	srdreg.scid  }
0x8b: {  	s0 =	sand.u32 $0x1, s1  }
0x8c: {  	s16 =	sshll.u32 s0, $0xA;
	s2 =	sadd.s32 s3, s2  }
0x8d: {  	s2 =	sadd.s32 s2, s16  }
0x8e: {  	[smem:$0x3FBE] =	sst s2  }
0x8f: {  	_ = 	snop  }
0x90: {  	(tm) =	ssettm $0x1  }
0x91: {  	s17 =	sld [smem:$0x3FFB];
	_ =	sdelay $0x3  }
0x92: {  	_ =	strace s17  }
0x93: {  	s2 =	sld [smem:$0x3FFC];
	_ =	sdelay $0x3  }
0x94: {  	_ =	strace s2  }
0x95: {  	s2 =	sld [smem:$0x3FFD];
	_ =	sdelay $0x3  }
0x96: {  	_ =	strace s2  }
0x97: {  	_ =	strace $0x8FFFFFFF  }
0x98: {  	s18 =	sld [smem:$0x3FDB];
	_ =	sdelay $0x1  }
0x99: {  	s19 =	simm.s32 $_scs_section_size  }
0x9a: {  	s4 =	simm.s32 $_size__tile_overlayer_lowered;
	s5 =	simm.s32 $_tile_overlayer_lowered  }
0x9b: {  	s22 =	simm.s32 $0x1BFF;
	s21 =	sshll.u32 s5, $0x1;
	s2 =	sadd.s32 s19, s18  }
0x9c: {  	s6 =	simm.s32 $0x0;
	s20 =	sshll.u32 s4, $0x1;
	s4 =	sadd.s32 s21, s2  }
0x9d: {  	[timem:s6], [sflag:s22] =	dma.local [hbm:s4], s20  }
0x9e: {  	_ =	swait.ge [sflag:s22], s20  }
0x9f: {  	s3 =	ssub.s32 $0x0, s20;
	[sflag:s22] =	ssyncset.done $0x0  }
0xa0: {  	[sflag:s22] =	ssyncadd.s32 s3;
	_ =	sdelay $0x1  }
0xa1: {  	s23 =	simm.s32 $0x1B8B  }
0xa2: {  	_ =	swait.ge [sflag:s23], $0x1  }
0xa3: {  	[sflag:s23] =	ssyncset.done $0x0  }
0xa4: {  	s25 =	simm.s32 $0x1B8E;
	s24 =	sld [smem:$0x3FFE];
	[sflag:s23] =	ssyncadd.s32 $0xFFFFFFFF  }
0xa5: {  	s26 =	simm.s32 $execute0_lowered;
	[smem:$0x3FD2] =	sst s25  }
0xa6: {  	s4 =	sshll.u32 s26, $0x1;
	_ =	strace $0x80000046;
	[dreg:$0x1] =	wrdreg $0xFFFFFFFF  }
0xa7: {  	s28 =	simm.s32 $_size_execute0_lowered;
	s2 =	sadd.s32 s2, s4;
	[dreg:$0x0] =	wrdreg $0x0  }
0xa8: {  	s4 =	sshll.u32 s28, $0x1;
	[dreg:$0x2] =	wrdreg s2  }
0xa9: {  	[dreg:$0x3] =	wrdreg s4  }
0xaa: {  	[dreg:$0x4] =	wrdreg $0xC0  }
0xab: {  	_ =	task [dreg:s6], $0x5FFFF  }
0xac: {  	[dreg:$0x1] =	wrdreg $0xFFFFFFFF  }
0xad: {  	[dreg:$0x0] =	wrdreg $0x60  }
0xae: {  	[dreg:$0x2] =	wrdreg s24  }
0xaf: {  	[dreg:$0x3] =	wrdreg $0xAC000  }
0xb0: {  	[dreg:$0x4] =	wrdreg $0x9  }
0xb1: {  	_ =	task.clear_ibuf [dreg:s6], $0x5FFFF;
	_ =	strace $0x90000046  }
0xb2: {  	s29 =	simm.s32 $0x9;
	_ =	strace $0x80000048  }
0xb3: {  	_ =	swait.ge [sflag:s29], $0x1  }
0xb4: {  	[sflag:s29] =	ssyncadd.s32 $0xFFFFFFFF  }
0xb5: {  	_ =	strace $0x90000048  }
0xb6: {  	_ =	sfence  }
0xb7: {  	s30 =	sld [smem:$0x0];
	_ =	sdelay $0x2  }
0xb8: {  	s31 =	sshll.u32 s1, $0xD;
	s1 =	sshrl.u32 s1, $0x2  }
0xb9: {  	s3 =	sand.u32 $0x4000, s31;
	s1 =	sadd.s32 s1, s30  }
0xba: {  	s0 =	sor.u32 s3, s0;
	s1 =	sshll.u32 s1, $0x11  }
0xbb: {  	s0 =	sor.u32 s1, s0  }
0xbc: {  	s0 =	sadd.s32 $0x8F2B, s0  }
0xbd: {  	[sflag:s0] =	ssyncadd.remote.s32 $0x1  }
0xbe: {  	_ =	sfence.sel $0xFFFF  }
0xbf: {  	[dreg:$0x0] =	wrdreg $0xFFFFFFFF;
	(pc) =	sbr.abs _section_cstart, $3  }
0xc0: {  	[dreg:$0x1] =	wrdreg $0xFFFFFFFF  }
0xc1: {  	_ =	task.clear_ibuf [dreg:s6], $0x2FFFF;
	_ =	strace $0x9FFFFFFF  }
0xc2: {  	(tm) =	ssettm $0x7FFFFFFF  }
0xc3: {  	_ =	shalt  }
tec
execute0_lowered:
.L_overlay_start_1:
0x0: {  	(tag) =	ssettag $0x1  }
0x1: {  	s6 =	rddreg [dreg:$0x0]  }
0x2: {  	s1 =	srdreg.scid;
	s0 =	stileid.u32  }
0x3: {  	s2 =	rddreg [dreg:$0x1];
	s3 =	simm.s32 $0x0;
	s21 =	simm.s32 $0x80  }
0x4: {  	s22 =	simm.s32 $0x0;
	s8 =	sand.u32 $0x1, s1;
	s1 =	rddreg [dreg:$0x2]  }
0x5: {  	s4 =	sshll.u32 s0, $0x1;
	[smem:$0x7FF] =	sst s3;
	s9 =	smul.u32 $0x50000, s0  }
0x6: {  	s16 =	sadd.s32 $0xDE00, s6;
	s11 =	smul.u32 $0x14000, s0;
	s4 =	sor.u32 s8, s4  }
0x7: {  	_ =	strace $0x80000047;
	s7 =	ssub.s32 $0x2, s8;
	s15 =	smul.u32 $0x140000, s8  }
0x8: {  	s4 =	smul.u32 $0x580, s4;
	s10 =	sshrl.u32 s7, $0x1;
	s31 =	sshrl.u32 s9, $0x2  }
0x9: {  	s12 =	sadd.s32 $0x4000, s11;
	s14 =	sadd.s32 $0x8000, s11;
	s18 =	sadd.s32 $0xC000, s11  }
0xa: {  	s19 =	sadd.s32 $0x10000, s11;
	s17 =	ssub.s32 s7, s10;
	s7 =	sadd.s32 s31, s2  }
0xb: {  	s8 =	sadd.s32 s12, s2;
	s9 =	sadd.s32 s14, s2;
	s10 =	sadd.s32 s18, s2  }
0xc: {  	s13 =	sadd.s32 s11, s15;
	s12 =	sadd.s32 s15, s12;
	s11 =	sadd.s32 s19, s2  }
0xd: {  	s14 =	sadd.s32 s15, s14;
	s18 =	sadd.s32 s15, s18;
	s15 =	sadd.s32 s15, s19  }
0xe: {  	s5 =	sadd.s32 s4, s6;
	s4 =	sadd.s32 $0xCE00, s6;
	s6 =	sadd.s32 $0xD600, s6  }
0xf: {  	s13 =	sshrl.u32 s13, $0x3;
	s20 =	sshrl.u32 s12, $0x3;
	s14 =	sshrl.u32 s14, $0x3  }
0x10: {  	s18 =	sshrl.u32 s18, $0x3;
	s19 =	sshrl.u32 s15, $0x3;
	s17 =	smax.u32 s17, $0x1  }
0x11: {  	s5 =	sadd.s32 $0x1E00, s5;
	s12 =	sadd.s32 s16, s13;
	s13 =	sadd.s32 s16, s20  }
0x12: {  	s14 =	sadd.s32 s16, s14;
	s15 =	sadd.s32 s16, s18;
	s16 =	sadd.s32 s16, s19  }
0x13: {  	s18 =	simm.s32 $0x1;
	s19 =	simm.s32 $0x2C00;
	s20 =	simm.s32 $0x6C00  }
.LBB2_1:
0x14: {  	[tilespmem:s3], [sflag:$0x1] =	stream.linear.gather [hbm4b:s5+s3], $0x2A00, $0x38;
	[tilespmem:$0x1EC00] =	vst v63  }
0x15: {  	_ =	swait.ge [sflag:s18], $0x2A00  }
0x16: {  	[sflag:s18] =	ssyncset.done $0x0  }
0x17: {  	[sflag:s18] =	ssyncadd.s32 $0xFFFFD600  }
0x18: {  	[tilespmem:s19], [sflag:$0x1] =	stream.linear.gather [hbm4b:s4+s3], $0x4000, $0x38;
	[tilespmem:$0x1EC00] =	vst v63  }
0x19: {  	_ =	swait.ge [sflag:s18], $0x4000  }
0x1a: {  	[sflag:s18] =	ssyncset.done $0x0  }
0x1b: {  	[sflag:s18] =	ssyncadd.s32 $0xFFFFC000  }
0x1c: {  	[tilespmem:s20], [sflag:$0x1] =	stream.linear.gather [hbm4b:s6+s3], $0x4000, $0x38;
	[tilespmem:$0x1EC00] =	vst v63  }
0x1d: {  	_ =	swait.ge [sflag:s18], $0x4000  }
0x1e: {  	[sflag:s18] =	ssyncset.done $0x0  }
0x1f: {  	[sflag:s18] =	ssyncadd.s32 $0xFFFFC000  }
0x20: {  	[spmem:s7] =	stream.linear.scatter [tilespmem:s20], [sflag:$0x1], $0x4000, $0x38;
	[tilespmem:$0x1EC00] =	vst v63  }
0x21: {  	_ =	swait.ge [sflag:s18], $0x4000  }
0x22: {  	[sflag:s18] =	ssyncset.done $0x0  }
0x23: {  	[sflag:s18] =	ssyncadd.s32 $0xFFFFC000  }
0x24: {  	[spmem:s8] =	stream.linear.scatter [tilespmem:s20], [sflag:$0x1], $0x4000, $0x38;
	[tilespmem:$0x1EC00] =	vst v63  }
0x25: {  	_ =	swait.ge [sflag:s18], $0x4000  }
0x26: {  	[sflag:s18] =	ssyncset.done $0x0  }
0x27: {  	[sflag:s18] =	ssyncadd.s32 $0xFFFFC000  }
0x28: {  	[spmem:s9] =	stream.linear.scatter [tilespmem:s20], [sflag:$0x1], $0x4000, $0x38;
	[tilespmem:$0x1EC00] =	vst v63  }
0x29: {  	_ =	swait.ge [sflag:s18], $0x4000  }
0x2a: {  	[sflag:s18] =	ssyncset.done $0x0  }
0x2b: {  	[sflag:s18] =	ssyncadd.s32 $0xFFFFC000  }
0x2c: {  	[spmem:s10] =	stream.linear.scatter [tilespmem:s20], [sflag:$0x1], $0x4000, $0x38;
	[tilespmem:$0x1EC00] =	vst v63  }
0x2d: {  	_ =	swait.ge [sflag:s18], $0x4000  }
0x2e: {  	[sflag:s18] =	ssyncset.done $0x0  }
0x2f: {  	[sflag:s18] =	ssyncadd.s32 $0xFFFFC000  }
0x30: {  	[spmem:s11] =	stream.linear.scatter [tilespmem:s20], [sflag:$0x1], $0x4000, $0x38;
	[tilespmem:$0x1EC00] =	vst v63  }
0x31: {  	_ =	swait.ge [sflag:s18], $0x4000  }
0x32: {  	[sflag:s18] =	ssyncset.done $0x0  }
0x33: {  	[sflag:s18] =	ssyncadd.s32 $0xFFFFC000  }
0x34: {  	s23 =	simm.s32 $0x0;
	[bflag:$0x0] =	sbarrier.arrive $0xFFFF  }
0x35: {  	[spmem:s2] =	stream.indirect.scatter.add.f32 [tilespmem:s19], [sflag:$0x1], $0x80, s23, s21, $0xb8;
	[tilespmem:$0x1EC00] =	vst v63  }
0x36: {  	_ =	swait.ge [sflag:s18], $0x4000  }
0x37: {  	s23 =	simm.s32 $0x200;
	[sflag:s18] =	ssyncset.done $0x0  }
.LBB2_2:
0x38: {  	s24 =	sshra.s32 s23, $0x2;
	[sflag:s18] =	ssyncadd.s32 $0xFFFFC000;
	p0 =	sne.s32 s23, $0xA600  }
0x39: {  	[spmem:s2] =	stream.indirect.scatter.add.f32 [tilespmem:s19], [sflag:$0x1], $0x80, s24, s21, $0xb8;
	[tilespmem:$0x1EC00] =	vst v63  }
.Ltmp0:
0x3a: {  	_ = 	snop;
	(pc) =	sbr.rel @p0 .LBB2_2-.Ltmp0, $4  }
0x3b: {  	_ = 	snop  }
0x3c: {  	s23 =	sadd.s32 $0x200, s23  }
0x3d: {  	_ =	swait.ge [sflag:s18], $0x4000  }
0x3e: {  	[sflag:s18] =	ssyncset.done $0x0  }
0x3f: {  	[sflag:s18] =	ssyncadd.s32 $0xFFFFC000  }
0x40: {  	[bflag:$0x0] =	sbarrier.arrive $0xFFFF  }
0x41: {  	[tilespmem:s20], [sflag:$0x1] =	stream.linear.gather [spmem:s7], $0x4000, $0x38;
	[tilespmem:$0x1EC00] =	vst v63  }
0x42: {  	_ =	swait.ge [sflag:s18], $0x4000  }
0x43: {  	[sflag:s18] =	ssyncset.done $0x0  }
0x44: {  	[sflag:s18] =	ssyncadd.s32 $0xFFFFC000  }
0x45: {  	[hbm4b:s12+s3] =	stream.linear.scatter [tilespmem:s20], [sflag:$0x1], $0x4000, $0x38;
	[tilespmem:$0x1EC00] =	vst v63  }
0x46: {  	_ =	swait.ge [sflag:s18], $0x4000  }
0x47: {  	[sflag:s18] =	ssyncset.done $0x0  }
0x48: {  	[sflag:s18] =	ssyncadd.s32 $0xFFFFC000  }
0x49: {  	[tilespmem:s20], [sflag:$0x1] =	stream.linear.gather [spmem:s8], $0x4000, $0x38;
	[tilespmem:$0x1EC00] =	vst v63  }
0x4a: {  	_ =	swait.ge [sflag:s18], $0x4000  }
0x4b: {  	[sflag:s18] =	ssyncset.done $0x0  }
0x4c: {  	[sflag:s18] =	ssyncadd.s32 $0xFFFFC000  }
0x4d: {  	[hbm4b:s13+s3] =	stream.linear.scatter [tilespmem:s20], [sflag:$0x1], $0x4000, $0x38;
	[tilespmem:$0x1EC00] =	vst v63  }
0x4e: {  	_ =	swait.ge [sflag:s18], $0x4000  }
0x4f: {  	[sflag:s18] =	ssyncset.done $0x0  }
0x50: {  	[sflag:s18] =	ssyncadd.s32 $0xFFFFC000  }
0x51: {  	[tilespmem:s20], [sflag:$0x1] =	stream.linear.gather [spmem:s9], $0x4000, $0x38;
	[tilespmem:$0x1EC00] =	vst v63  }
0x52: {  	_ =	swait.ge [sflag:s18], $0x4000  }
0x53: {  	[sflag:s18] =	ssyncset.done $0x0  }
0x54: {  	[sflag:s18] =	ssyncadd.s32 $0xFFFFC000  }
0x55: {  	[hbm4b:s14+s3] =	stream.linear.scatter [tilespmem:s20], [sflag:$0x1], $0x4000, $0x38;
	[tilespmem:$0x1EC00] =	vst v63  }
0x56: {  	_ =	swait.ge [sflag:s18], $0x4000  }
0x57: {  	[sflag:s18] =	ssyncset.done $0x0  }
0x58: {  	[sflag:s18] =	ssyncadd.s32 $0xFFFFC000  }
0x59: {  	[tilespmem:s20], [sflag:$0x1] =	stream.linear.gather [spmem:s10], $0x4000, $0x38;
	[tilespmem:$0x1EC00] =	vst v63  }
0x5a: {  	_ =	swait.ge [sflag:s18], $0x4000  }
0x5b: {  	[sflag:s18] =	ssyncset.done $0x0  }
0x5c: {  	[sflag:s18] =	ssyncadd.s32 $0xFFFFC000  }
0x5d: {  	[hbm4b:s15+s3] =	stream.linear.scatter [tilespmem:s20], [sflag:$0x1], $0x4000, $0x38;
	[tilespmem:$0x1EC00] =	vst v63  }
0x5e: {  	_ =	swait.ge [sflag:s18], $0x4000  }
0x5f: {  	[sflag:s18] =	ssyncset.done $0x0  }
0x60: {  	[sflag:s18] =	ssyncadd.s32 $0xFFFFC000  }
0x61: {  	[tilespmem:s20], [sflag:$0x1] =	stream.linear.gather [spmem:s11], $0x4000, $0x38;
	[tilespmem:$0x1EC00] =	vst v63  }
0x62: {  	s22 =	sadd.s32 $0x1, s22;
	_ =	swait.ge [sflag:s18], $0x4000  }
0x63: {  	p0 =	sne.s32 s22, s17;
	[sflag:s18] =	ssyncset.done $0x0  }
.Ltmp1:
0x64: {  	[sflag:s18] =	ssyncadd.s32 $0xFFFFC000;
	(pc) =	sbr.rel @p0 .LBB2_1-.Ltmp1, $4  }
0x65: {  	[hbm4b:s16+s3] =	stream.linear.scatter [tilespmem:s20], [sflag:$0x1], $0x4000, $0x38;
	[tilespmem:$0x1EC00] =	vst v63  }
0x66: {  	_ =	swait.ge [sflag:s18], $0x4000  }
0x67: {  	[sflag:s18] =	ssyncset.done $0x0  }
0x68: {  	[sflag:s18] =	ssyncadd.s32 $0xFFFFC000  }
0x69: {  	_ =	sfence.sel $0x180000  }
0x6a: {  	[bflag:$0x0] =	sbarrier.arrive $0xFFFF  }
0x6b: {  	p0 =	sne.s32 s0, $0x0;
	_ =	strace $0x90000047  }
0x6c: {  	s0 =	sadd.s32 @!p0 $0x100000, s1;
	[bflag:$0x2] =	sbarrier.arrive $0xFFFF  }
0x6d: {  	[sflag:s0] =	ssyncadd.tile.s32 @!p0 $0x1;
	_ =	shalt  }
.Lfunc_end2:
_tile_overlayer_lowered:
.L_overlay_start_2:
0x6e: {  	(tag) =	ssettag $0x2  }
0x6f: {  	s0 =	rddreg [dreg:$0x0];
	s2 =	stileid.u32  }
0x70: {  	s1 =	rddreg [dreg:$0x1];
	p0 =	sne.s32 s2, $0x0  }
0x71: {  	s3 =	rddreg [dreg:$0x2];
	[bflag:$0x3] =	sbarrier.arrive $0xFFFF;
	s2 =	simm.s32 @!p0 $0x1C01  }
0x72: {  	[timem:s3], [sflag:s2] =	dma.local @!p0 [hbm:s0], s1  }
0x73: {  	s0 =	simm.s32 @!p0 $0x1  }
0x74: {  	_ =	swait.ge @!p0 [sflag:s0], s1  }
0x75: {  	s1 =	ssub.s32 @!p0 $0x0, s1;
	[sflag:s0] =	ssyncset.done @!p0 $0x0  }
0x76: {  	[sflag:s0] =	ssyncadd.s32 @!p0 s1  }
0x77: {  	[bflag:$0x3] =	sbarrier.arrive $0xFFFF  }
0x78: {  	_ =	shalt  }

// kernel: kernel.9.cloned.1.call-start
scs
__scs_entry_jumppad:
0x0: {  	(pc) =	sbr.rel $0x88, $3  }
0x1: {  	(tag) =	ssettag $0x0;
	lr =	simm.s32 $0x1  }
0x2: {  	[smem:$0x3F97] =	sst lr;
	_ =	strace $0xD0000000  }
0x3: {  	_ = 	snop  }
0x4: {  	_ = 	snop  }
0x5: {  	_ = 	snop  }
0x6: {  	_ = 	snop  }
0x7: {  	_ = 	snop  }
__scs_overlays_trampoline_lowered:
0x8: {  	[smem:$0x3FA6] =	sst s0  }
0x9: {  	[smem:$0x3FA7] =	sst s1  }
0xa: {  	[smem:$0x3FA8] =	sst s2  }
0xb: {  	[smem:$0x3FA9] =	sst s3  }
0xc: {  	[smem:$0x3FAA] =	sst s4  }
0xd: {  	[smem:$0x3FAB] =	sst s5  }
0xe: {  	[smem:$0x3FAC] =	sst s6  }
0xf: {  	[smem:$0x3FAD] =	sst s7  }
0x10: {  	[smem:$0x3FAE] =	sst s8  }
0x11: {  	[smem:$0x3FAF] =	sst s9;
	s0 =	simm.s32 @!p0 $0x0  }
0x12: {  	s1 =	sld [smem:$0x3F95];
	s0 =	simm.s32 @p0 $0x1  }
0x13: {  	[smem:$0x3FB0] =	sst s0;
	s0 =	simm.s32 @!p1 $0x0  }
0x14: {  	s2 =	sld [smem:$0x3F94];
	s0 =	simm.s32 @p1 $0x1  }
0x15: {  	[smem:$0x3FB1] =	sst s0;
	s0 =	simm.s32 @!p2 $0x0  }
0x16: {  	s3 =	sld [smem:$0x3FDB];
	s0 =	simm.s32 @p2 $0x1  }
0x17: {  	s4 =	simm.s32 $0x1BF5;
	[smem:$0x3FB3] =	sst s0  }
0x18: {  	s0 =	sld [smem:$0x3F96];
	_ =	swait.ge [sflag:s4], $0x0  }
0x19: {  	s7 =	sld [smem:$0x3F97]  }
0x1a: {  	s8 =	sadd.s32 $0xFFFFE003, lr  }
0x1b: {  	s9 =	sadd.s32 $0xFFFFFEF7, lr;
	s5 =	simm.s32 $0xFFFFFFFF;
	p2 =	slt.u32 s8, $0xFFFFF086  }
0x1c: {  	p1 =	slt.u32 s9, $0xF7A;
	s5 =	simm.s32 @!p2 $0x0  }
0x1d: {  	s5 =	simm.s32 @p1 $0x1;
	p0 =	seq.s32 s7, s2  }
0x1e: {  	s7 =	smul.u32 @!p0 $0xF7A, s2;
	p2 =	seq.s32 @!p0 s5, $0x0  }
0x1f: {  	s9 =	smul.u32 $0xF7A, s1;
	s8 =	simm.s32 @!p0 $0x1BF5;
	p2 =	por !p2, p0  }
0x20: {  	[sflag:s8] =	ssyncset.s32 @!p0 $0xFFFFF086;
	s6 =	sadd.s32 @!p0 s3, s7;
	s7 =	simm.s32 @!p0 $0x108  }
0x21: {  	s3 =	sadd.s32 s3, s9;
	s6 =	sadd.s32 @!p0 $0x88, s6;
	s7 =	simm.s32 @p2 $0x1082  }
0x22: {  	[simem:s7], [sflag:s8] =	dma.local @!p0 [hbm:s6], $0xF7A  }
0x23: {  	s9 =	sor.u32 $0xD0000000, s2;
	s6 =	simm.s32 $0x108;
	_ =	swait.ge @!p0 [sflag:s8], $0x0  }
0x24: {  	s3 =	sadd.s32 $0x88, s3;
	s6 =	simm.s32 @!p1 $0x1082;
	[sflag:s4] =	ssyncset.s32 $0xFFFFF086  }
0x25: {  	[simem:s6], [sflag:s4] =	dma.local [hbm:s3], $0xF7A  }
0x26: {  	[smem:$0x3F97] =	sst s1;
	(tag) =	ssettag s2;
	_ =	strace s9  }
0x27: {  	s1 =	sld [smem:$0x3FA7]  }
0x28: {  	s2 =	sld [smem:$0x3FA8]  }
0x29: {  	s4 =	sld [smem:$0x3FAA]  }
0x2a: {  	p0 =	seq.s32 s5, $0x0;
	s5 =	sld [smem:$0x3FAB]  }
0x2b: {  	s6 =	sld [smem:$0x3FAC]  }
0x2c: {  	s7 =	sld [smem:$0x3FAD]  }
0x2d: {  	s3 =	simm.s32 $0x108;
	s8 =	sld [smem:$0x3FAE]  }
0x2e: {  	s3 =	simm.s32 @!p0 $0x1082;
	s9 =	sld [smem:$0x3FAF]  }
0x2f: {  	lr =	sadd.s32 s0, s3;
	s0 =	sld [smem:$0x3FA6]  }
0x30: {  	s3 =	sld [smem:$0x3FA9]  }
0x31: {  	[smem:$0x3FB2] =	sst s10  }
0x32: {  	s10 =	sld [smem:$0x3FB0];
	_ =	sdelay $0x3  }
0x33: {  	p0 =	seq.s32 s10, $0x1;
	s10 =	sld [smem:$0x3FB2];
	_ =	sdelay $0x3  }
0x34: {  	[smem:$0x3FB2] =	sst s10  }
0x35: {  	s10 =	sld [smem:$0x3FB1];
	_ =	sdelay $0x3  }
0x36: {  	p1 =	seq.s32 s10, $0x1;
	s10 =	sld [smem:$0x3FB2];
	_ =	sdelay $0x3  }
0x37: {  	[smem:$0x3FB2] =	sst s10  }
0x38: {  	s10 =	sld [smem:$0x3FB3]  }
0x39: {  	_ = 	snop;
	(pc) =	sbr.ind lr, $3  }
0x3a: {  	_ = 	snop  }
0x3b: {  	_ = 	snop  }
0x3c: {  	p2 =	seq.s32 s10, $0x1;
	s10 =	sld [smem:$0x3FB2]  }
0x3d: {  	_ =	shalt  }
0x3e: {  	_ =	shalt  }
0x3f: {  	_ =	shalt  }
0x40: {  	_ =	shalt  }
0x41: {  	_ =	shalt  }
0x42: {  	_ =	shalt  }
0x43: {  	_ =	shalt  }
0x44: {  	_ =	shalt  }
0x45: {  	_ =	shalt  }
0x46: {  	_ =	shalt  }
0x47: {  	_ =	shalt  }
0x48: {  	_ =	shalt  }
0x49: {  	_ =	shalt  }
0x4a: {  	_ =	shalt  }
0x4b: {  	_ =	shalt  }
0x4c: {  	_ =	shalt  }
0x4d: {  	_ =	shalt  }
0x4e: {  	_ =	shalt  }
0x4f: {  	_ =	shalt  }
0x50: {  	_ =	shalt  }
0x51: {  	_ =	shalt  }
0x52: {  	_ =	shalt  }
0x53: {  	_ =	shalt  }
0x54: {  	_ =	shalt  }
0x55: {  	_ =	shalt  }
0x56: {  	_ =	shalt  }
0x57: {  	_ =	shalt  }
0x58: {  	_ =	shalt  }
0x59: {  	_ =	shalt  }
0x5a: {  	_ =	shalt  }
0x5b: {  	_ =	shalt  }
0x5c: {  	_ =	shalt  }
0x5d: {  	_ =	shalt  }
0x5e: {  	_ =	shalt  }
0x5f: {  	_ =	shalt  }
0x60: {  	_ =	shalt  }
0x61: {  	_ =	shalt  }
0x62: {  	_ =	shalt  }
0x63: {  	_ =	shalt  }
0x64: {  	_ =	shalt  }
0x65: {  	_ =	shalt  }
0x66: {  	_ =	shalt  }
0x67: {  	_ =	shalt  }
0x68: {  	_ =	shalt  }
0x69: {  	_ =	shalt  }
0x6a: {  	_ =	shalt  }
0x6b: {  	_ =	shalt  }
0x6c: {  	_ =	shalt  }
0x6d: {  	_ =	shalt  }
0x6e: {  	_ =	shalt  }
0x6f: {  	_ =	shalt  }
0x70: {  	_ =	shalt  }
0x71: {  	_ =	shalt  }
0x72: {  	_ =	shalt  }
0x73: {  	_ =	shalt  }
0x74: {  	_ =	shalt  }
0x75: {  	_ =	shalt  }
0x76: {  	_ =	shalt  }
0x77: {  	_ =	shalt  }
0x78: {  	_ =	shalt  }
0x79: {  	_ =	shalt  }
0x7a: {  	_ =	shalt  }
0x7b: {  	_ =	shalt  }
0x7c: {  	_ =	shalt  }
0x7d: {  	_ =	shalt  }
0x7e: {  	_ =	shalt  }
0x7f: {  	_ =	shalt  }
0x80: {  	_ =	shalt  }
0x81: {  	_ =	shalt  }
0x82: {  	_ =	shalt  }
0x83: {  	_ =	shalt  }
0x84: {  	_ =	shalt  }
0x85: {  	_ =	shalt  }
0x86: {  	_ =	shalt  }
0x87: {  	_ =	shalt  }
.Lfunc_end0:
.L_simem_size_0:
called_computation.1_lowered:
.L_overlay_start_0:
0x88: {  	s2 =	sld [smem:$0x3FD9]  }
0x89: {  	s3 =	sld [smem:$0x3FFE];
	_ =	sdelay $0x1  }
0x8a: {  	s1 =	srdreg.scid  }
0x8b: {  	s0 =	sand.u32 $0x1, s1  }
0x8c: {  	s16 =	sshll.u32 s0, $0xA;
	s2 =	sadd.s32 s3, s2  }
0x8d: {  	s2 =	sadd.s32 s2, s16  }
0x8e: {  	[smem:$0x3FBE] =	sst s2  }
0x8f: {  	_ = 	snop  }
0x90: {  	(tm) =	ssettm $0x1  }
0x91: {  	s17 =	sld [smem:$0x3FFB];
	_ =	sdelay $0x3  }
0x92: {  	_ =	strace s17  }
0x93: {  	s2 =	sld [smem:$0x3FFC];
	_ =	sdelay $0x3  }
0x94: {  	_ =	strace s2  }
0x95: {  	s2 =	sld [smem:$0x3FFD];
	_ =	sdelay $0x3  }
0x96: {  	_ =	strace s2  }
0x97: {  	_ =	strace $0x8FFFFFFF  }
0x98: {  	s18 =	sld [smem:$0x3FDB];
	_ =	sdelay $0x1  }
0x99: {  	s19 =	simm.s32 $_scs_section_size  }
0x9a: {  	s4 =	simm.s32 $_size__tile_overlayer_lowered;
	s5 =	simm.s32 $_tile_overlayer_lowered  }
0x9b: {  	s22 =	simm.s32 $0x1BFF;
	s21 =	sshll.u32 s5, $0x1;
	s2 =	sadd.s32 s19, s18  }
0x9c: {  	s6 =	simm.s32 $0x0;
	s20 =	sshll.u32 s4, $0x1;
	s4 =	sadd.s32 s21, s2  }
0x9d: {  	[timem:s6], [sflag:s22] =	dma.local [hbm:s4], s20  }
0x9e: {  	_ =	swait.ge [sflag:s22], s20  }
0x9f: {  	s3 =	ssub.s32 $0x0, s20;
	[sflag:s22] =	ssyncset.done $0x0  }
0xa0: {  	[sflag:s22] =	ssyncadd.s32 s3;
	_ =	sdelay $0x1  }
0xa1: {  	s23 =	simm.s32 $0x1B8B  }
0xa2: {  	_ =	swait.ge [sflag:s23], $0x1  }
0xa3: {  	[sflag:s23] =	ssyncset.done $0x0  }
0xa4: {  	s25 =	simm.s32 $0x1B8E;
	s24 =	sld [smem:$0x3FFE];
	[sflag:s23] =	ssyncadd.s32 $0xFFFFFFFF  }
0xa5: {  	s26 =	simm.s32 $execute0_lowered;
	[smem:$0x3FD2] =	sst s25  }
0xa6: {  	s4 =	sshll.u32 s26, $0x1;
	_ =	strace $0x80000049;
	[dreg:$0x1] =	wrdreg $0xFFFFFFFF  }
0xa7: {  	s28 =	simm.s32 $_size_execute0_lowered;
	s2 =	sadd.s32 s2, s4;
	[dreg:$0x0] =	wrdreg $0x0  }
0xa8: {  	s4 =	sshll.u32 s28, $0x1;
	[dreg:$0x2] =	wrdreg s2  }
0xa9: {  	[dreg:$0x3] =	wrdreg s4  }
0xaa: {  	[dreg:$0x4] =	wrdreg $0xC0  }
0xab: {  	_ =	task [dreg:s6], $0x5FFFF  }
0xac: {  	[dreg:$0x1] =	wrdreg $0xFFFFFFFF  }
0xad: {  	[dreg:$0x0] =	wrdreg $0x60  }
0xae: {  	[dreg:$0x2] =	wrdreg s24  }
0xaf: {  	[dreg:$0x3] =	wrdreg $0xB0000  }
0xb0: {  	[dreg:$0x4] =	wrdreg $0x9  }
0xb1: {  	_ =	task.clear_ibuf [dreg:s6], $0x5FFFF;
	_ =	strace $0x90000049  }
0xb2: {  	s29 =	simm.s32 $0x9;
	_ =	strace $0x8000004B  }
0xb3: {  	_ =	swait.ge [sflag:s29], $0x1  }
0xb4: {  	[sflag:s29] =	ssyncadd.s32 $0xFFFFFFFF  }
0xb5: {  	_ =	strace $0x9000004B  }
0xb6: {  	_ =	sfence  }
0xb7: {  	s30 =	sld [smem:$0x0];
	_ =	sdelay $0x2  }
0xb8: {  	s31 =	sshll.u32 s1, $0xD;
	s1 =	sshrl.u32 s1, $0x2  }
0xb9: {  	s3 =	sand.u32 $0x4000, s31;
	s1 =	sadd.s32 s1, s30  }
0xba: {  	s0 =	sor.u32 s3, s0;
	s1 =	sshll.u32 s1, $0x11  }
0xbb: {  	s0 =	sor.u32 s1, s0  }
0xbc: {  	s0 =	sadd.s32 $0x8F2B, s0  }
0xbd: {  	[sflag:s0] =	ssyncadd.remote.s32 $0x1  }
0xbe: {  	_ =	sfence.sel $0xFFFF  }
0xbf: {  	[dreg:$0x0] =	wrdreg $0xFFFFFFFF;
	(pc) =	sbr.abs _section_cstart, $3  }
0xc0: {  	[dreg:$0x1] =	wrdreg $0xFFFFFFFF  }
0xc1: {  	_ =	task.clear_ibuf [dreg:s6], $0x2FFFF;
	_ =	strace $0x9FFFFFFF  }
0xc2: {  	(tm) =	ssettm $0x7FFFFFFF  }
0xc3: {  	_ =	shalt  }
tec
execute0_lowered:
.L_overlay_start_1:
0x0: {  	(tag) =	ssettag $0x1  }
0x1: {  	s0 =	rddreg [dreg:$0x0]  }
0x2: {  	s1 =	rddreg [dreg:$0x1];
	s2 =	simm.s32 $0x0  }
0x3: {  	s5 =	srdreg.scid;
	s9 =	stileid.u32;
	s28 =	simm.s32 $0x2  }
0x4: {  	s29 =	simm.s32 $0x1480;
	s30 =	simm.s32 $0x2C00;
	s31 =	simm.s32 $0x2C80  }
0x5: {  	[smem:$0x7FF] =	sst s2;
	s4 =	sadd.s32 $0x1E00, s0;
	s3 =	sadd.s32 $0x69E00, s0  }
0x6: {  	s14 =	sadd.s32 $0x5DE00, s0;
	s5 =	sand.u32 $0x1, s5;
	s7 =	smul.u32 $0x50000, s9  }
0x7: {  	s6 =	sadd.s32 $0x29E00, s0;
	s0 =	sadd.s32 $0x75E00, s0;
	s13 =	smul.u32 $0x14000, s9  }
0x8: {  	s19 =	sshll.u32 s9, $0x1;
	_ =	strace $0x8000004A;
	[dreg:$0x3] =	wrdreg s6  }
0x9: {  	s18 =	ssub.s32 $0x2, s5;
	s21 =	sor.u32 s5, s19;
	s5 =	smul.u32 $0x140000, s5  }
0xa: {  	s8 =	sshrl.u32 s18, $0x1;
	s7 =	sshrl.u32 s7, $0x2;
	s15 =	sadd.s32 $0x4000, s13  }
0xb: {  	s17 =	sadd.s32 $0x8000, s13;
	s10 =	smul.u32 $0x3000, s21;
	s19 =	sadd.s32 $0x10000, s13  }
0xc: {  	s20 =	ssub.s32 s18, s8;
	s6 =	sadd.s32 s7, s1;
	s18 =	sadd.s32 $0xC000, s13  }
0xd: {  	s7 =	sadd.s32 s15, s1;
	s8 =	sadd.s32 s17, s1;
	s21 =	sadd.s32 s13, s5  }
0xe: {  	s15 =	sadd.s32 s5, s15;
	s25 =	sadd.s32 s5, s17;
	s9 =	sadd.s32 s18, s1  }
0xf: {  	s16 =	sshrl.u32 s10, $0x3;
	s10 =	sadd.s32 s19, s1;
	s23 =	sshrl.u32 s21, $0x3  }
0x10: {  	s24 =	sshrl.u32 s15, $0x3;
	s26 =	sadd.s32 s5, s18;
	s5 =	sadd.s32 s5, s19  }
0x11: {  	s20 =	smax.u32 s20, $0x1;
	s21 =	simm.s32 $0x3000;
	s11 =	sadd.s32 s3, s16  }
0x12: {  	s22 =	sadd.s32 s14, s16;
	s16 =	sadd.s32 $0x300, s16;
	s15 =	sadd.s32 s0, s23  }
0x13: {  	s18 =	sshrl.u32 s26, $0x3;
	s5 =	sshrl.u32 s5, $0x3;
	[dreg:$0x4] =	wrdreg s11  }
0x14: {  	s23 =	simm.s32 $0x1800;
	s26 =	simm.s32 $0x1;
	[dreg:$0x5] =	wrdreg s22  }
0x15: {  	s3 =	sadd.s32 s3, s16;
	s14 =	sadd.s32 s14, s16;
	s16 =	sadd.s32 s0, s24  }
0x16: {  	s18 =	sadd.s32 s0, s18;
	s19 =	sadd.s32 s0, s5;
	s22 =	simm.s32 $0x3  }
0x17: {  	s24 =	simm.s32 $0x80;
	[dreg:$0x6] =	wrdreg s3;
	s3 =	sshrl.u32 s25, $0x3  }
0x18: {  	s25 =	simm.s32 $0x7000;
	s17 =	sadd.s32 s0, s3;
	s0 =	simm.s32 $0x0  }
.LBB2_1:
0x19: {  	s3 =	rddreg [dreg:$0x3]  }
0x1a: {  	[tilespmem:s21], [sflag:$0x3] =	stream.linear.gather [hbm4b:s3+s2], $0x4000, $0x38;
	[tilespmem:$0x1F000] =	vst v63  }
0x1b: {  	_ =	swait.ge [sflag:s22], $0x4000  }
0x1c: {  	[sflag:s22] =	ssyncset.done $0x0  }
0x1d: {  	[sflag:s22] =	ssyncadd.s32 $0xFFFFC000  }
0x1e: {  	[spmem:s6] =	stream.linear.scatter [tilespmem:s21], [sflag:$0x3], $0x4000, $0x38;
	[tilespmem:$0x1F000] =	vst v63  }
0x1f: {  	_ =	swait.ge [sflag:s22], $0x4000  }
0x20: {  	[sflag:s22] =	ssyncset.done $0x0  }
0x21: {  	[sflag:s22] =	ssyncadd.s32 $0xFFFFC000  }
0x22: {  	[spmem:s7] =	stream.linear.scatter [tilespmem:s21], [sflag:$0x3], $0x4000, $0x38;
	[tilespmem:$0x1F000] =	vst v63  }
0x23: {  	_ =	swait.ge [sflag:s22], $0x4000  }
0x24: {  	[sflag:s22] =	ssyncset.done $0x0  }
0x25: {  	[sflag:s22] =	ssyncadd.s32 $0xFFFFC000  }
0x26: {  	[spmem:s8] =	stream.linear.scatter [tilespmem:s21], [sflag:$0x3], $0x4000, $0x38;
	[tilespmem:$0x1F000] =	vst v63  }
0x27: {  	_ =	swait.ge [sflag:s22], $0x4000  }
0x28: {  	[sflag:s22] =	ssyncset.done $0x0  }
0x29: {  	[sflag:s22] =	ssyncadd.s32 $0xFFFFC000  }
0x2a: {  	[spmem:s9] =	stream.linear.scatter [tilespmem:s21], [sflag:$0x3], $0x4000, $0x38;
	[tilespmem:$0x1F000] =	vst v63  }
0x2b: {  	_ =	swait.ge [sflag:s22], $0x4000  }
0x2c: {  	[sflag:s22] =	ssyncset.done $0x0  }
0x2d: {  	[sflag:s22] =	ssyncadd.s32 $0xFFFFC000  }
0x2e: {  	[spmem:s10] =	stream.linear.scatter [tilespmem:s21], [sflag:$0x3], $0x4000, $0x38;
	[tilespmem:$0x1F000] =	vst v63  }
0x2f: {  	_ =	swait.ge [sflag:s22], $0x4000  }
0x30: {  	[sflag:s22] =	ssyncset.done $0x0  }
0x31: {  	[sflag:s22] =	ssyncadd.s32 $0xFFFFC000  }
0x32: {  	[bflag:$0x0] =	sbarrier.arrive $0xFFFF  }
0x33: {  	s12 =	rddreg [dreg:$0x4]  }
0x34: {  	[tilespmem:s2], [sflag:$0x3] =	stream.linear.gather [hbm4b:s12+s2], $0x1500, $0x38;
	[tilespmem:$0x1F000] =	vst v63  }
0x35: {  	_ =	swait.ge [sflag:s22], $0x1500  }
0x36: {  	[sflag:s22] =	ssyncset.done $0x0  }
0x37: {  	s13 =	rddreg [dreg:$0x5];
	[sflag:s22] =	ssyncadd.s32 $0xFFFFEB00  }
0x38: {  	[tilespmem:s23], [sflag:$0x3] =	stream.linear.gather [hbm4b:s13+s2], $0x1500, $0x38;
	[tilespmem:$0x1F000] =	vst v63  }
0x39: {  	_ =	swait.ge [sflag:s22], $0x1500  }
0x3a: {  	[sflag:s22] =	ssyncset.done $0x0  }
0x3b: {  	[sflag:s22] =	ssyncadd.s32 $0xFFFFEB00  }
0x3c: {  	[tilespmem:s21], [sflag:$0x1] =	stream.indirect.gather [hbm4b:s4+s24], $0x80, s2, s24, $0xb8;
	[tilespmem:$0x1F000] =	vst v63  }
0x3d: {  	s5 =	simm.s32 $0x80  }
0x3e: {  	[tilespmem:s25], [sflag:$0x2] =	stream.indirect.gather [hbm4b:s4+s24], $0x80, s5, s24, $0xb8;
	[tilespmem:$0x1F000] =	vst v63  }
0x3f: {  	_ =	swait.ge [sflag:s26], $0x4000  }
0x40: {  	[sflag:s26] =	ssyncset.done $0x0  }
0x41: {  	s11 =	simm.s32 $0x1800;
	[sflag:s26] =	ssyncadd.s32 $0xFFFFC000  }
0x42: {  	[spmem:s1] =	stream.indirect.scatter.add.f32 [tilespmem:s21], [sflag:$0x3], $0x80, s11, s24, $0xb8;
	[tilespmem:$0x1F000] =	vst v63  }
0x43: {  	_ =	swait.ge [sflag:s22], $0x4000  }
0x44: {  	[sflag:s22] =	ssyncset.done $0x0  }
0x45: {  	s12 =	simm.s32 $0x100;
	[sflag:s22] =	ssyncadd.s32 $0xFFFFC000  }
0x46: {  	[tilespmem:s21], [sflag:$0x1] =	stream.indirect.gather [hbm4b:s4+s24], $0x80, s12, s24, $0xb8;
	[tilespmem:$0x1F000] =	vst v63  }
0x47: {  	_ =	swait.ge [sflag:s28], $0x4000  }
0x48: {  	[sflag:s28] =	ssyncset.done $0x0  }
0x49: {  	s13 =	simm.s32 $0x1880;
	[sflag:s28] =	ssyncadd.s32 $0xFFFFC000  }
0x4a: {  	[spmem:s1] =	stream.indirect.scatter.add.f32 [tilespmem:s25], [sflag:$0x3], $0x80, s13, s24, $0xb8;
	[tilespmem:$0x1F000] =	vst v63  }
0x4b: {  	_ =	swait.ge [sflag:s22], $0x4000  }
0x4c: {  	s3 =	simm.s32 $0x100;
	s5 =	simm.s32 $0x800;
	[sflag:s22] =	ssyncset.done $0x0  }
.LBB2_2:
0x4d: {  	s11 =	sadd.s32 $0x80, s3  }
0x4e: {  	[sflag:s22] =	ssyncadd.s32 $0xFFFFC000;
	s12 =	smov.u32 s5;
	s13 =	sadd.s32 $0x400, s5  }
0x4f: {  	[tilespmem:s25], [sflag:$0x2] =	stream.indirect.gather [hbm4b:s4+s24], $0x80, s11, s24, $0xb8;
	[tilespmem:$0x1F000] =	vst v63  }
0x50: {  	p0 =	sne.s32 s5, $0x4C00;
	_ =	swait.ge [sflag:s26], $0x4000  }
0x51: {  	[sflag:s26] =	ssyncset.done $0x0  }
0x52: {  	s5 =	sadd.s32 $0x1800, s3;
	[sflag:s26] =	ssyncadd.s32 $0xFFFFC000  }
0x53: {  	[spmem:s1] =	stream.indirect.scatter.add.f32 [tilespmem:s21], [sflag:$0x3], $0x80, s5, s24, $0xb8;
	[tilespmem:$0x1F000] =	vst v63  }
0x54: {  	_ =	swait.ge [sflag:s22], $0x4000  }
0x55: {  	[sflag:s22] =	ssyncset.done $0x0  }
0x56: {  	s5 =	sadd.s32 $0x100, s3;
	[sflag:s22] =	ssyncadd.s32 $0xFFFFC000  }
0x57: {  	[tilespmem:s21], [sflag:$0x1] =	stream.indirect.gather [hbm4b:s4+s24], $0x80, s5, s24, $0xb8;
	[tilespmem:$0x1F000] =	vst v63  }
0x58: {  	_ =	swait.ge [sflag:s28], $0x4000  }
.Ltmp0:
0x59: {  	[sflag:s28] =	ssyncset.done $0x0;
	(pc) =	sbr.rel @p0 .LBB2_2-.Ltmp0, $4  }
0x5a: {  	s3 =	sadd.s32 $0x1880, s3;
	[sflag:s28] =	ssyncadd.s32 $0xFFFFC000  }
0x5b: {  	[spmem:s1] =	stream.indirect.scatter.add.f32 [tilespmem:s25], [sflag:$0x3], $0x80, s3, s24, $0xb8;
	[tilespmem:$0x1F000] =	vst v63  }
0x5c: {  	_ =	swait.ge [sflag:s22], $0x4000  }
0x5d: {  	s5 =	smov.u32 s13;
	s3 =	sshra.s32 s12, $0x2;
	[sflag:s22] =	ssyncset.done $0x0  }
0x5e: {  	s5 =	sadd.s32 $0x80, s3;
	[sflag:s22] =	ssyncadd.s32 $0xFFFFC000  }
0x5f: {  	[tilespmem:s25], [sflag:$0x2] =	stream.indirect.gather [hbm4b:s4+s24], $0x80, s5, s24, $0xb8;
	[tilespmem:$0x1F000] =	vst v63  }
0x60: {  	_ =	swait.ge [sflag:s26], $0x4000  }
0x61: {  	[sflag:s26] =	ssyncset.done $0x0  }
0x62: {  	s12 =	sadd.s32 $0x1800, s3;
	[sflag:s26] =	ssyncadd.s32 $0xFFFFC000  }
0x63: {  	[spmem:s1] =	stream.indirect.scatter.add.f32 [tilespmem:s21], [sflag:$0x3], $0x80, s12, s24, $0xb8;
	[tilespmem:$0x1F000] =	vst v63  }
0x64: {  	_ =	swait.ge [sflag:s22], $0x4000  }
0x65: {  	[sflag:s22] =	ssyncset.done $0x0  }
0x66: {  	s13 =	sadd.s32 $0x100, s3;
	[sflag:s22] =	ssyncadd.s32 $0xFFFFC000  }
0x67: {  	[tilespmem:s21], [sflag:$0x1] =	stream.indirect.gather [hbm4b:s4+s24], $0x80, s13, s24, $0xb8;
	[tilespmem:$0x1F000] =	vst v63  }
0x68: {  	_ =	swait.ge [sflag:s28], $0x4000  }
0x69: {  	[sflag:s28] =	ssyncset.done $0x0  }
0x6a: {  	s11 =	sadd.s32 $0x1880, s3;
	[sflag:s28] =	ssyncadd.s32 $0xFFFFC000  }
0x6b: {  	[spmem:s1] =	stream.indirect.scatter.add.f32 [tilespmem:s25], [sflag:$0x3], $0x80, s11, s24, $0xb8;
	[tilespmem:$0x1F000] =	vst v63  }
0x6c: {  	_ =	swait.ge [sflag:s22], $0x4000  }
0x6d: {  	[sflag:s22] =	ssyncset.done $0x0  }
0x6e: {  	[sflag:s22] =	ssyncadd.s32 $0xFFFFC000  }
0x6f: {  	[tilespmem:s25], [sflag:$0x2] =	stream.indirect.gather [hbm4b:s4+s24], $0x80, s29, s24, $0xb8;
	[tilespmem:$0x1F000] =	vst v63  }
0x70: {  	_ =	swait.ge [sflag:s26], $0x4000  }
0x71: {  	[sflag:s26] =	ssyncset.done $0x0  }
0x72: {  	[sflag:s26] =	ssyncadd.s32 $0xFFFFC000  }
0x73: {  	[spmem:s1] =	stream.indirect.scatter.add.f32 [tilespmem:s21], [sflag:$0x3], $0x80, s30, s24, $0xb8;
	[tilespmem:$0x1F000] =	vst v63  }
0x74: {  	_ =	swait.ge [sflag:s22], $0x4000  }
0x75: {  	[sflag:s22] =	ssyncset.done $0x0  }
0x76: {  	[sflag:s22] =	ssyncadd.s32 $0xFFFFC000  }
0x77: {  	_ =	swait.ge [sflag:s28], $0x4000  }
0x78: {  	[sflag:s28] =	ssyncset.done $0x0  }
0x79: {  	[sflag:s28] =	ssyncadd.s32 $0xFFFFC000  }
0x7a: {  	[spmem:s1] =	stream.indirect.scatter.add.f32 [tilespmem:s25], [sflag:$0x3], $0x80, s31, s24, $0xb8;
	[tilespmem:$0x1F000] =	vst v63  }
0x7b: {  	_ =	swait.ge [sflag:s22], $0x4000  }
0x7c: {  	[sflag:s22] =	ssyncset.done $0x0  }
0x7d: {  	s12 =	simm.s32 $0x0;
	s13 =	rddreg [dreg:$0x6];
	[sflag:s22] =	ssyncadd.s32 $0xFFFFC000  }
0x7e: {  	[tilespmem:s12], [sflag:$0x3] =	stream.linear.gather [hbm4b:s13+s12], $0x1500, $0x38;
	[tilespmem:$0x1F000] =	vst v63  }
0x7f: {  	_ =	swait.ge [sflag:s22], $0x1500  }
0x80: {  	[sflag:s22] =	ssyncset.done $0x0  }
0x81: {  	[sflag:s22] =	ssyncadd.s32 $0xFFFFEB00  }
0x82: {  	[tilespmem:s23], [sflag:$0x3] =	stream.linear.gather [hbm4b:s14+s12], $0x1500, $0x38;
	[tilespmem:$0x1F000] =	vst v63  }
0x83: {  	_ =	swait.ge [sflag:s22], $0x1500  }
0x84: {  	[sflag:s22] =	ssyncset.done $0x0  }
0x85: {  	[sflag:s22] =	ssyncadd.s32 $0xFFFFEB00  }
0x86: {  	[tilespmem:s21], [sflag:$0x1] =	stream.indirect.gather [hbm4b:s4+s24], $0x80, s12, s24, $0xb8;
	[tilespmem:$0x1F000] =	vst v63  }
0x87: {  	s5 =	simm.s32 $0x80  }
0x88: {  	[tilespmem:s25], [sflag:$0x2] =	stream.indirect.gather [hbm4b:s4+s24], $0x80, s5, s24, $0xb8;
	[tilespmem:$0x1F000] =	vst v63  }
0x89: {  	_ =	swait.ge [sflag:s26], $0x4000  }
0x8a: {  	[sflag:s26] =	ssyncset.done $0x0  }
0x8b: {  	s11 =	simm.s32 $0x1800;
	[sflag:s26] =	ssyncadd.s32 $0xFFFFC000  }
0x8c: {  	[spmem:s1] =	stream.indirect.scatter.add.f32 [tilespmem:s21], [sflag:$0x3], $0x80, s11, s24, $0xb8;
	[tilespmem:$0x1F000] =	vst v63  }
0x8d: {  	_ =	swait.ge [sflag:s22], $0x4000  }
0x8e: {  	[sflag:s22] =	ssyncset.done $0x0  }
0x8f: {  	s12 =	simm.s32 $0x100;
	[sflag:s22] =	ssyncadd.s32 $0xFFFFC000  }
0x90: {  	[tilespmem:s21], [sflag:$0x1] =	stream.indirect.gather [hbm4b:s4+s24], $0x80, s12, s24, $0xb8;
	[tilespmem:$0x1F000] =	vst v63  }
0x91: {  	_ =	swait.ge [sflag:s28], $0x4000  }
0x92: {  	[sflag:s28] =	ssyncset.done $0x0  }
0x93: {  	s13 =	simm.s32 $0x1880;
	[sflag:s28] =	ssyncadd.s32 $0xFFFFC000  }
0x94: {  	[spmem:s1] =	stream.indirect.scatter.add.f32 [tilespmem:s25], [sflag:$0x3], $0x80, s13, s24, $0xb8;
	[tilespmem:$0x1F000] =	vst v63  }
0x95: {  	_ =	swait.ge [sflag:s22], $0x4000  }
0x96: {  	s3 =	simm.s32 $0x100;
	s5 =	simm.s32 $0x800;
	[sflag:s22] =	ssyncset.done $0x0  }
.LBB2_4:
0x97: {  	s11 =	sadd.s32 $0x80, s3  }
0x98: {  	[sflag:s22] =	ssyncadd.s32 $0xFFFFC000;
	s12 =	smov.u32 s5;
	s13 =	sadd.s32 $0x400, s5  }
0x99: {  	[tilespmem:s25], [sflag:$0x2] =	stream.indirect.gather [hbm4b:s4+s24], $0x80, s11, s24, $0xb8;
	[tilespmem:$0x1F000] =	vst v63  }
0x9a: {  	p0 =	sne.s32 s5, $0x4C00;
	_ =	swait.ge [sflag:s26], $0x4000  }
0x9b: {  	[sflag:s26] =	ssyncset.done $0x0  }
0x9c: {  	s5 =	sadd.s32 $0x1800, s3;
	[sflag:s26] =	ssyncadd.s32 $0xFFFFC000  }
0x9d: {  	[spmem:s1] =	stream.indirect.scatter.add.f32 [tilespmem:s21], [sflag:$0x3], $0x80, s5, s24, $0xb8;
	[tilespmem:$0x1F000] =	vst v63  }
0x9e: {  	_ =	swait.ge [sflag:s22], $0x4000  }
0x9f: {  	[sflag:s22] =	ssyncset.done $0x0  }
0xa0: {  	s5 =	sadd.s32 $0x100, s3;
	[sflag:s22] =	ssyncadd.s32 $0xFFFFC000  }
0xa1: {  	[tilespmem:s21], [sflag:$0x1] =	stream.indirect.gather [hbm4b:s4+s24], $0x80, s5, s24, $0xb8;
	[tilespmem:$0x1F000] =	vst v63  }
0xa2: {  	_ =	swait.ge [sflag:s28], $0x4000  }
.Ltmp1:
0xa3: {  	[sflag:s28] =	ssyncset.done $0x0;
	(pc) =	sbr.rel @p0 .LBB2_4-.Ltmp1, $4  }
0xa4: {  	s3 =	sadd.s32 $0x1880, s3;
	[sflag:s28] =	ssyncadd.s32 $0xFFFFC000  }
0xa5: {  	[spmem:s1] =	stream.indirect.scatter.add.f32 [tilespmem:s25], [sflag:$0x3], $0x80, s3, s24, $0xb8;
	[tilespmem:$0x1F000] =	vst v63  }
0xa6: {  	_ =	swait.ge [sflag:s22], $0x4000  }
0xa7: {  	s5 =	smov.u32 s13;
	s3 =	sshra.s32 s12, $0x2;
	[sflag:s22] =	ssyncset.done $0x0  }
0xa8: {  	s5 =	sadd.s32 $0x80, s3;
	[sflag:s22] =	ssyncadd.s32 $0xFFFFC000  }
0xa9: {  	[tilespmem:s25], [sflag:$0x2] =	stream.indirect.gather [hbm4b:s4+s24], $0x80, s5, s24, $0xb8;
	[tilespmem:$0x1F000] =	vst v63  }
0xaa: {  	_ =	swait.ge [sflag:s26], $0x4000  }
0xab: {  	[sflag:s26] =	ssyncset.done $0x0  }
0xac: {  	s11 =	sadd.s32 $0x1800, s3;
	[sflag:s26] =	ssyncadd.s32 $0xFFFFC000  }
0xad: {  	[spmem:s1] =	stream.indirect.scatter.add.f32 [tilespmem:s21], [sflag:$0x3], $0x80, s11, s24, $0xb8;
	[tilespmem:$0x1F000] =	vst v63  }
0xae: {  	_ =	swait.ge [sflag:s22], $0x4000  }
0xaf: {  	[sflag:s22] =	ssyncset.done $0x0  }
0xb0: {  	s12 =	sadd.s32 $0x100, s3;
	[sflag:s22] =	ssyncadd.s32 $0xFFFFC000  }
0xb1: {  	[tilespmem:s21], [sflag:$0x1] =	stream.indirect.gather [hbm4b:s4+s24], $0x80, s12, s24, $0xb8;
	[tilespmem:$0x1F000] =	vst v63  }
0xb2: {  	_ =	swait.ge [sflag:s28], $0x4000  }
0xb3: {  	[sflag:s28] =	ssyncset.done $0x0  }
0xb4: {  	s13 =	sadd.s32 $0x1880, s3;
	[sflag:s28] =	ssyncadd.s32 $0xFFFFC000  }
0xb5: {  	[spmem:s1] =	stream.indirect.scatter.add.f32 [tilespmem:s25], [sflag:$0x3], $0x80, s13, s24, $0xb8;
	[tilespmem:$0x1F000] =	vst v63  }
0xb6: {  	_ =	swait.ge [sflag:s22], $0x4000  }
0xb7: {  	[sflag:s22] =	ssyncset.done $0x0  }
0xb8: {  	[sflag:s22] =	ssyncadd.s32 $0xFFFFC000  }
0xb9: {  	[tilespmem:s25], [sflag:$0x2] =	stream.indirect.gather [hbm4b:s4+s24], $0x80, s29, s24, $0xb8;
	[tilespmem:$0x1F000] =	vst v63  }
0xba: {  	_ =	swait.ge [sflag:s26], $0x4000  }
0xbb: {  	[sflag:s26] =	ssyncset.done $0x0  }
0xbc: {  	[sflag:s26] =	ssyncadd.s32 $0xFFFFC000  }
0xbd: {  	[spmem:s1] =	stream.indirect.scatter.add.f32 [tilespmem:s21], [sflag:$0x3], $0x80, s30, s24, $0xb8;
	[tilespmem:$0x1F000] =	vst v63  }
0xbe: {  	_ =	swait.ge [sflag:s22], $0x4000  }
0xbf: {  	[sflag:s22] =	ssyncset.done $0x0  }
0xc0: {  	[sflag:s22] =	ssyncadd.s32 $0xFFFFC000  }
0xc1: {  	_ =	swait.ge [sflag:s28], $0x4000  }
0xc2: {  	[sflag:s28] =	ssyncset.done $0x0  }
0xc3: {  	[sflag:s28] =	ssyncadd.s32 $0xFFFFC000  }
0xc4: {  	[spmem:s1] =	stream.indirect.scatter.add.f32 [tilespmem:s25], [sflag:$0x3], $0x80, s31, s24, $0xb8;
	[tilespmem:$0x1F000] =	vst v63  }
0xc5: {  	_ =	swait.ge [sflag:s22], $0x4000  }
0xc6: {  	[sflag:s22] =	ssyncset.done $0x0  }
0xc7: {  	[sflag:s22] =	ssyncadd.s32 $0xFFFFC000  }
0xc8: {  	[bflag:$0x0] =	sbarrier.arrive $0xFFFF  }
0xc9: {  	[tilespmem:s21], [sflag:$0x3] =	stream.linear.gather [spmem:s6], $0x4000, $0x38;
	[tilespmem:$0x1F000] =	vst v63  }
0xca: {  	_ =	swait.ge [sflag:s22], $0x4000  }
0xcb: {  	[sflag:s22] =	ssyncset.done $0x0  }
0xcc: {  	[sflag:s22] =	ssyncadd.s32 $0xFFFFC000  }
0xcd: {  	[hbm4b:s15+s2] =	stream.linear.scatter [tilespmem:s21], [sflag:$0x3], $0x4000, $0x38;
	[tilespmem:$0x1F000] =	vst v63  }
0xce: {  	_ =	swait.ge [sflag:s22], $0x4000  }
0xcf: {  	[sflag:s22] =	ssyncset.done $0x0  }
0xd0: {  	[sflag:s22] =	ssyncadd.s32 $0xFFFFC000  }
0xd1: {  	[tilespmem:s21], [sflag:$0x3] =	stream.linear.gather [spmem:s7], $0x4000, $0x38;
	[tilespmem:$0x1F000] =	vst v63  }
0xd2: {  	_ =	swait.ge [sflag:s22], $0x4000  }
0xd3: {  	[sflag:s22] =	ssyncset.done $0x0  }
0xd4: {  	[sflag:s22] =	ssyncadd.s32 $0xFFFFC000  }
0xd5: {  	[hbm4b:s16+s2] =	stream.linear.scatter [tilespmem:s21], [sflag:$0x3], $0x4000, $0x38;
	[tilespmem:$0x1F000] =	vst v63  }
0xd6: {  	_ =	swait.ge [sflag:s22], $0x4000  }
0xd7: {  	[sflag:s22] =	ssyncset.done $0x0  }
0xd8: {  	[sflag:s22] =	ssyncadd.s32 $0xFFFFC000  }
0xd9: {  	[tilespmem:s21], [sflag:$0x3] =	stream.linear.gather [spmem:s8], $0x4000, $0x38;
	[tilespmem:$0x1F000] =	vst v63  }
0xda: {  	_ =	swait.ge [sflag:s22], $0x4000  }
0xdb: {  	[sflag:s22] =	ssyncset.done $0x0  }
0xdc: {  	[sflag:s22] =	ssyncadd.s32 $0xFFFFC000  }
0xdd: {  	[hbm4b:s17+s2] =	stream.linear.scatter [tilespmem:s21], [sflag:$0x3], $0x4000, $0x38;
	[tilespmem:$0x1F000] =	vst v63  }
0xde: {  	_ =	swait.ge [sflag:s22], $0x4000  }
0xdf: {  	[sflag:s22] =	ssyncset.done $0x0  }
0xe0: {  	[sflag:s22] =	ssyncadd.s32 $0xFFFFC000  }
0xe1: {  	[tilespmem:s21], [sflag:$0x3] =	stream.linear.gather [spmem:s9], $0x4000, $0x38;
	[tilespmem:$0x1F000] =	vst v63  }
0xe2: {  	_ =	swait.ge [sflag:s22], $0x4000  }
0xe3: {  	[sflag:s22] =	ssyncset.done $0x0  }
0xe4: {  	[sflag:s22] =	ssyncadd.s32 $0xFFFFC000  }
0xe5: {  	[hbm4b:s18+s2] =	stream.linear.scatter [tilespmem:s21], [sflag:$0x3], $0x4000, $0x38;
	[tilespmem:$0x1F000] =	vst v63  }
0xe6: {  	_ =	swait.ge [sflag:s22], $0x4000  }
0xe7: {  	[sflag:s22] =	ssyncset.done $0x0  }
0xe8: {  	[sflag:s22] =	ssyncadd.s32 $0xFFFFC000  }
0xe9: {  	[tilespmem:s21], [sflag:$0x3] =	stream.linear.gather [spmem:s10], $0x4000, $0x38;
	[tilespmem:$0x1F000] =	vst v63  }
0xea: {  	s0 =	sadd.s32 $0x1, s0;
	_ =	swait.ge [sflag:s22], $0x4000  }
0xeb: {  	p0 =	sne.s32 s0, s20;
	[sflag:s22] =	ssyncset.done $0x0  }
.Ltmp2:
0xec: {  	[sflag:s22] =	ssyncadd.s32 $0xFFFFC000;
	(pc) =	sbr.rel @p0 .LBB2_1-.Ltmp2, $4  }
0xed: {  	[hbm4b:s19+s2] =	stream.linear.scatter [tilespmem:s21], [sflag:$0x3], $0x4000, $0x38;
	[tilespmem:$0x1F000] =	vst v63  }
0xee: {  	_ =	swait.ge [sflag:s22], $0x4000  }
0xef: {  	[sflag:s22] =	ssyncset.done $0x0  }
0xf0: {  	[sflag:s22] =	ssyncadd.s32 $0xFFFFC000  }
0xf1: {  	_ =	sfence.sel $0x180000  }
0xf2: {  	[bflag:$0x0] =	sbarrier.arrive $0xFFFF  }
0xf3: {  	_ =	strace $0x9000004A  }
0xf4: {  	s0 =	stileid.u32;
	[bflag:$0x2] =	sbarrier.arrive $0xFFFF  }
0xf5: {  	p0 =	sne.s32 s0, $0x0;
	s0 =	rddreg [dreg:$0x2]  }
0xf6: {  	s0 =	sadd.s32 @!p0 $0x100000, s0  }
0xf7: {  	[sflag:s0] =	ssyncadd.tile.s32 @!p0 $0x1;
	_ =	shalt  }
.Lfunc_end2:
_tile_overlayer_lowered:
.L_overlay_start_2:
0xf8: {  	(tag) =	ssettag $0x2  }
0xf9: {  	s0 =	rddreg [dreg:$0x0];
	s2 =	stileid.u32  }
0xfa: {  	s1 =	rddreg [dreg:$0x1];
	p0 =	sne.s32 s2, $0x0  }
0xfb: {  	s3 =	rddreg [dreg:$0x2];
	[bflag:$0x3] =	sbarrier.arrive $0xFFFF;
	s2 =	simm.s32 @!p0 $0x1C03  }
0xfc: {  	[timem:s3], [sflag:s2] =	dma.local @!p0 [hbm:s0], s1  }
0xfd: {  	s0 =	simm.s32 @!p0 $0x3  }
0xfe: {  	_ =	swait.ge @!p0 [sflag:s0], s1  }
0xff: {  	s1 =	ssub.s32 @!p0 $0x0, s1;
	[sflag:s0] =	ssyncset.done @!p0 $0x0  }
0x100: {  	[sflag:s0] =	ssyncadd.s32 @!p0 s1  }
0x101: {  	[bflag:$0x3] =	sbarrier.arrive $0xFFFF  }
0x102: {  	_ =	shalt  }

</sc_bundles>
